<compile_context>
chip_gen: v7x
topology: tpu7x:2x2x1
jax: 0.10.2.dev20260603
libtpu: 0.0.44.dev20260713+nightly
codegen_flags: <defaults>
</compile_context>

<pallas_src>
import functools

import jax
import jax.numpy as jnp
from jax import lax
from jax.experimental import pallas as pl
from jax.experimental.pallas import tpu as pltpu
from jax.experimental.pallas import tpu_sc as plsc

_B, _S, _D = 16, 2048, 512
_NV = 32
_T = _S + _NV
_HALF = _T // 2
_ZR = 128
_AUXR = _NV + _ZR
_LEVELS = (128, 16, 2, 1)


def _virt_body(tok_ref, w1_ref, b1_ref, w2_ref, b2_ref, aux_ref):
    h = jnp.tanh(
        jnp.dot(tok_ref[...], w1_ref[...], preferred_element_type=jnp.float32)
        + b1_ref[...]
    )
    aux_ref[: _NV, :] = (
        jnp.dot(h, w2_ref[...], preferred_element_type=jnp.float32) + b2_ref[...]
    )
    aux_ref[_NV :, :] = jnp.zeros((_ZR, _D), jnp.float32)


_tc_virtual = pl.pallas_call(
    _virt_body,
    out_shape=jax.ShapeDtypeStruct((_AUXR, _D), jnp.float32),
)


@functools.partial(
    pl.kernel,
    out_type=jax.ShapeDtypeStruct((_B * _T * _D,), jnp.float32),
    mesh=plsc.VectorSubcoreMesh(core_axis_name="c", subcore_axis_name="s"),
    scratch_types=[
        pltpu.VMEM((2 * _B,), jnp.int32),
        pltpu.VMEM((_AUXR * _D,), jnp.float32),
    ],
)
def _sc_assemble(in_hbm, aux_hbm, seq_hbm, out_hbm, len_v, aux_v):
    c = lax.axis_index("c")
    s = lax.axis_index("s")
    b = s
    t0 = c * _HALF

    pltpu.sync_copy(seq_hbm, len_v.at[pl.ds(0, _B)])
    pltpu.sync_copy(aux_hbm, aux_v)

    L = len_v[pl.ds(b, _B)][0]

    v_lo = jnp.clip(L - t0, 0, _HALF)
    v_hi = jnp.clip(L + _NV - t0, 0, _HALF)
    vsrc0 = t0 + v_lo - L
    dst0 = (b * _T + t0) * _D

    def run_levels(n_rows, make_src, dst_base):
        done = jnp.int32(0)
        rem = n_rows
        for lv in _LEVELS:
            cnt = lax.div(rem, jnp.int32(lv))

            def body(i, carry, lv=lv, done=done):
                r = done + i * lv
                pltpu.sync_copy(
                    make_src(r, lv),
                    out_hbm.at[pl.ds(dst0 + (dst_base + r) * _D, lv * _D)],
                )
                return carry

            lax.fori_loop(0, cnt, body, jnp.int32(0))
            done = done + cnt * lv
            rem = rem - cnt * lv

    src0 = (b * _S + t0) * _D
    run_levels(
        v_lo, lambda r, lv: in_hbm.at[pl.ds(src0 + r * _D, lv * _D)], jnp.int32(0)
    )
    run_levels(
        v_hi - v_lo,
        lambda r, lv: aux_v.at[pl.ds((vsrc0 + r) * _D, lv * _D)],
        v_lo,
    )
    run_levels(
        _HALF - v_hi, lambda r, lv: aux_v.at[pl.ds(_NV * _D, lv * _D)], v_hi
    )


def kernel(inputs, seq_len, embed_table, W1, b1, W2, b2):
    aux = _tc_virtual(
        embed_table, W1, b1.reshape(1, -1), W2, b2.reshape(1, -1)
    )
    out = _sc_assemble(inputs.reshape(-1), aux.reshape(-1), seq_len)
    return out.reshape(_B, _T, _D), seq_len + _NV

# --- scband reference (transcript-rebuilt; emitter-appended) ---
"""Pipeline reference for scband-point-union-17222818857431 (READ-ONLY COPY).

The authoritative reference and input builder live on the scoring server;
editing this copy changes nothing except your own understanding.
"""

import jax, jax.numpy as jnp
import numpy as np

B, S, D = 16, 2048, 512
NV, H = 32, 512

def setup_inputs(seed: int = 0) -> dict:
    key = jax.random.key(seed)
    ks = jax.random.split(key, 7)
    inputs = jax.random.normal(ks[0], (B, S, D), dtype=jnp.float32)
    seq_len = jax.random.randint(ks[1], (B,), 0, S, dtype=jnp.int64 if jax.config.jax_enable_x64 else jnp.int32).astype(jnp.int32)
    embed_table = jax.random.normal(ks[2], (NV, H), dtype=jnp.float32)
    W1 = jax.random.normal(ks[3], (H, H), dtype=jnp.float32) * (1.0 / np.sqrt(H))
    b1 = jnp.zeros((H,), dtype=jnp.float32)
    W2 = jax.random.normal(ks[4], (H, D), dtype=jnp.float32) * (1.0 / np.sqrt(H))
    b2 = jnp.zeros((D,), dtype=jnp.float32)
    return {"inputs": inputs, "seq_len": seq_len, "embed_table": embed_table, "W1": W1, "b1": b1, "W2": W2, "b2": b2}

def reference(inputs, seq_len, embed_table, W1, b1, W2, b2):
    # PointUnion.append_virtual_embedding (projection=True, task_type != TYPE_IDENTIFY)
    b, s, d = inputs.shape
    nv = embed_table.shape[0]
    # virtual tokens: same indices stacked per batch -> identical rows; compute once
    tok = embed_table  # [NV, H] == virtual_embeds(arange(NV))
    virtual = jnp.tanh(tok @ W1 + b1) @ W2 + b2  # [NV, D]
    T = s + nv
    t = jnp.arange(T)[None, :]                      # [1, T]
    lens = seq_len[:, None].astype(jnp.int32)        # [B, 1]
    in_mask = t < lens                               # copy original tokens
    v_mask = (t >= lens) & (t < lens + nv)           # virtual tokens at ragged end
    inputs_pad = jnp.pad(inputs, ((0, 0), (0, nv), (0, 0)))  # [B, T, D]
    v_idx = jnp.clip(t - lens, 0, nv - 1)            # [B, T]
    v_gather = jnp.take(virtual, v_idx, axis=0)      # [B, T, D]
    out = jnp.where(in_mask[..., None], inputs_pad, jnp.zeros((), dtype=inputs.dtype))
    out = jnp.where(v_mask[..., None], v_gather, out)
    augment_length = seq_len + nv
    return out, augment_length

if __name__ == "__main__":
    import jax
    _d = setup_inputs()
    print(jax.jit(kernel)(*tuple(_d.values())))

</pallas_src>

<mosaic_0001>
#map = affine_map<(d0, d1) -> (0)>
module attributes {stable_mosaic.version = 14 : i64} {
  func.func @_sc_assemble(%arg0: i32, %arg1: i32, %arg2: memref<16777216xf32, #tpu.memory_space<hbm>>, %arg3: memref<81920xf32, #tpu.memory_space<hbm>>, %arg4: memref<16xi32, #tpu.memory_space<hbm>>, %arg5: memref<17039360xf32, #tpu.memory_space<hbm>>, %arg6: memref<32xi32, #tpu.memory_space<vmem>>, %arg7: memref<81920xf32, #tpu.memory_space<vmem>>) attributes {dimension_semantics = [#tpu.dimension_semantics<core_parallel>, #tpu.dimension_semantics<subcore_parallel>], iteration_bounds = array<i64: 2, 16>, scalar_prefetch = 0 : i64, scratch_operands = 2 : i64, tpu.core_type = #tpu.core_type<sc_vector_subcore>, window_params = [{transform_indices = #map}, {transform_indices = #map}, {transform_indices = #map}, {transform_indices = #map}]} {
    %mul3A = arith.constant 1040 : i32
    %mul3A_0 = arith.muli %arg0, %mul3A : i32
    "tpu.region"() ({
      %run_scoped3A = tpu.sem_alloc : memref<!tpu.dma_semaphore, #tpu.memory_space<semaphore_mem>>
      %dma_start3A = arith.constant 0 : i32
      %dma_start3A_249 = tpu.memref_slice %arg6[%dma_start3A] : memref<32xi32, #tpu.memory_space<vmem>> -> memref<16xi32, #tpu.memory_space<vmem>>
      %dma_start3A_250 = arith.constant 0 : i32
      %dma_start3A_251 = tpu.memref_slice %arg6[%dma_start3A_250] : memref<32xi32, #tpu.memory_space<vmem>> -> memref<16xi32, #tpu.memory_space<vmem>>
      tpu.enqueue_dma source(%arg4 : memref<16xi32, #tpu.memory_space<hbm>>) target(%dma_start3A_251 : memref<16xi32, #tpu.memory_space<vmem>>) target_semaphore(%run_scoped3A : memref<!tpu.dma_semaphore, #tpu.memory_space<semaphore_mem>>)
      %dma_wait3A = arith.constant 0 : i32
      %dma_wait3A_252 = tpu.memref_slice %arg6[%dma_wait3A] : memref<32xi32, #tpu.memory_space<vmem>> -> memref<16xi32, #tpu.memory_space<vmem>>
      %dma_wait3A_253 = arith.constant 0 : i32
      %dma_wait3A_254 = tpu.memref_slice %arg6[%dma_wait3A_253] : memref<32xi32, #tpu.memory_space<vmem>> -> memref<16xi32, #tpu.memory_space<vmem>>
      tpu.wait_dma2 semaphore(%run_scoped3A : memref<!tpu.dma_semaphore, #tpu.memory_space<semaphore_mem>>) src(%arg4 : memref<16xi32, #tpu.memory_space<hbm>>) dst(%dma_wait3A_254 : memref<16xi32, #tpu.memory_space<vmem>>)
      tpu.yield
    }) : () -> ()
    "tpu.region"() ({
      %run_scoped3A = tpu.sem_alloc : memref<!tpu.dma_semaphore, #tpu.memory_space<semaphore_mem>>
      tpu.enqueue_dma source(%arg3 : memref<81920xf32, #tpu.memory_space<hbm>>) target(%arg7 : memref<81920xf32, #tpu.memory_space<vmem>>) target_semaphore(%run_scoped3A : memref<!tpu.dma_semaphore, #tpu.memory_space<semaphore_mem>>)
      tpu.wait_dma2 semaphore(%run_scoped3A : memref<!tpu.dma_semaphore, #tpu.memory_space<semaphore_mem>>) src(%arg3 : memref<81920xf32, #tpu.memory_space<hbm>>) dst(%arg7 : memref<81920xf32, #tpu.memory_space<vmem>>)
      tpu.yield
    }) : () -> ()
    %get3A = arith.index_cast %arg1 : i32 to index
    %get3A_1 = tpu.vector_load %arg6[%get3A] {strides = array<i32>} : memref<32xi32, #tpu.memory_space<vmem>>, vector<16xi32>,
    %get3A_2 = vector.shape_cast %get3A_1 : vector<16xi32> to vector<16xi32>
    %slice3A = vector.extract_strided_slice %get3A_2 {offsets = [0], sizes = [1], strides = [1]} : vector<16xi32> to vector<1xi32>
    %squeeze3A = vector.extract %slice3A[0] : i32 from vector<1xi32>
    %sub3A = arith.subi %squeeze3A, %mul3A_0 : i32
    %jit3A = arith.constant 0 : i32
    %jit3A_3 = arith.constant 1040 : i32
    %max3A = arith.maxsi %jit3A, %sub3A : i32
    %min3A = arith.minsi %jit3A_3, %max3A : i32
    %add3A = arith.constant 32 : i32
    %add3A_4 = arith.addi %squeeze3A, %add3A : i32
    %sub3A_5 = arith.subi %add3A_4, %mul3A_0 : i32
    %jit3A_6 = arith.constant 0 : i32
    %jit3A_7 = arith.constant 1040 : i32
    %max3A_8 = arith.maxsi %jit3A_6, %sub3A_5 : i32
    %min3A_9 = arith.minsi %jit3A_7, %max3A_8 : i32
    %add3A_10 = arith.addi %mul3A_0, %min3A : i32
    %sub3A_11 = arith.subi %add3A_10, %squeeze3A : i32
    %mul3A_12 = arith.constant 2080 : i32
    %mul3A_13 = arith.muli %arg1, %mul3A_12 : i32
    %add3A_14 = arith.addi %mul3A_13, %mul3A_0 : i32
    %mul3A_15 = arith.constant 512 : i32
    %mul3A_16 = arith.muli %add3A_14, %mul3A_15 : i32
    %mul3A_17 = arith.constant 2048 : i32
    %mul3A_18 = arith.muli %arg1, %mul3A_17 : i32
    %add3A_19 = arith.addi %mul3A_18, %mul3A_0 : i32
    %mul3A_20 = arith.constant 512 : i32
    %mul3A_21 = arith.muli %add3A_19, %mul3A_20 : i32
    %div3A = arith.constant 128 : i32
    %div3A_22 = arith.divsi %min3A, %div3A : i32
    %while3A = arith.constant 0 : i32
    %while3A_23 = arith.constant 0 : i32
    %while3A_24 = arith.constant 0 : i32
    %while3A_25 = arith.constant 0 : i32
    %while3A_26 = arith.subi %div3A_22, %while3A_25 : i32
    %while3A_27 = arith.addi %while3A_25, %while3A_26 : i32
    %while3A_28 = arith.constant 1 : i32
    %while3A_29 = arith.divsi %while3A_26, %while3A_28 : i32
    %while3A_30 = arith.muli %while3A_29, %while3A_28 : i32
    %while3A_31 = arith.addi %while3A_25, %while3A_30 : i32
    %while3A_32 = arith.constant 1 : i32
    scf.for %while3A_249 = %while3A_25 to %while3A_31 step %while3A_32  : i32 {
      %mul3A_250 = arith.constant 128 : i32
      %mul3A_251 = arith.muli %while3A_249, %mul3A_250 : i32
      %add3A_252 = arith.addi %while3A_23, %mul3A_251 : i32
      %mul3A_253 = arith.constant 512 : i32
      %mul3A_254 = arith.muli %add3A_252, %mul3A_253 : i32
      %add3A_255 = arith.addi %mul3A_21, %mul3A_254 : i32
      %add3A_256 = arith.addi %while3A_24, %add3A_252 : i32
      %mul3A_257 = arith.constant 512 : i32
      %mul3A_258 = arith.muli %add3A_256, %mul3A_257 : i32
      %add3A_259 = arith.addi %mul3A_16, %mul3A_258 : i32
      "tpu.region"() ({
        %run_scoped3A = tpu.sem_alloc : memref<!tpu.dma_semaphore, #tpu.memory_space<semaphore_mem>>
        %dma_start3A = tpu.memref_slice %arg5[%add3A_259] : memref<17039360xf32, #tpu.memory_space<hbm>> -> memref<65536xf32, #tpu.memory_space<hbm>>
        %dma_start3A_260 = tpu.memref_slice %arg2[%add3A_255] : memref<16777216xf32, #tpu.memory_space<hbm>> -> memref<65536xf32, #tpu.memory_space<hbm>>
        tpu.enqueue_dma source(%dma_start3A_260 : memref<65536xf32, #tpu.memory_space<hbm>>) target(%dma_start3A : memref<65536xf32, #tpu.memory_space<hbm>>) target_semaphore(%run_scoped3A : memref<!tpu.dma_semaphore, #tpu.memory_space<semaphore_mem>>)
        %dma_wait3A = tpu.memref_slice %arg5[%add3A_259] : memref<17039360xf32, #tpu.memory_space<hbm>> -> memref<65536xf32, #tpu.memory_space<hbm>>
        %dma_wait3A_261 = tpu.memref_slice %arg2[%add3A_255] : memref<16777216xf32, #tpu.memory_space<hbm>> -> memref<65536xf32, #tpu.memory_space<hbm>>
        tpu.wait_dma2 semaphore(%run_scoped3A : memref<!tpu.dma_semaphore, #tpu.memory_space<semaphore_mem>>) src(%dma_wait3A_261 : memref<65536xf32, #tpu.memory_space<hbm>>) dst(%dma_wait3A : memref<65536xf32, #tpu.memory_space<hbm>>)
        tpu.yield
      }) : () -> ()
    }
    %while3A_33 = arith.constant 1 : i32
    scf.for %while3A_249 = %while3A_31 to %while3A_27 step %while3A_33  : i32 {
      %mul3A_250 = arith.constant 128 : i32
      %mul3A_251 = arith.muli %while3A_249, %mul3A_250 : i32
      %add3A_252 = arith.addi %while3A_23, %mul3A_251 : i32
      %mul3A_253 = arith.constant 512 : i32
      %mul3A_254 = arith.muli %add3A_252, %mul3A_253 : i32
      %add3A_255 = arith.addi %mul3A_21, %mul3A_254 : i32
      %add3A_256 = arith.addi %while3A_24, %add3A_252 : i32
      %mul3A_257 = arith.constant 512 : i32
      %mul3A_258 = arith.muli %add3A_256, %mul3A_257 : i32
      %add3A_259 = arith.addi %mul3A_16, %mul3A_258 : i32
      "tpu.region"() ({
        %run_scoped3A = tpu.sem_alloc : memref<!tpu.dma_semaphore, #tpu.memory_space<semaphore_mem>>
        %dma_start3A = tpu.memref_slice %arg5[%add3A_259] : memref<17039360xf32, #tpu.memory_space<hbm>> -> memref<65536xf32, #tpu.memory_space<hbm>>
        %dma_start3A_260 = tpu.memref_slice %arg2[%add3A_255] : memref<16777216xf32, #tpu.memory_space<hbm>> -> memref<65536xf32, #tpu.memory_space<hbm>>
        tpu.enqueue_dma source(%dma_start3A_260 : memref<65536xf32, #tpu.memory_space<hbm>>) target(%dma_start3A : memref<65536xf32, #tpu.memory_space<hbm>>) target_semaphore(%run_scoped3A : memref<!tpu.dma_semaphore, #tpu.memory_space<semaphore_mem>>)
        %dma_wait3A = tpu.memref_slice %arg5[%add3A_259] : memref<17039360xf32, #tpu.memory_space<hbm>> -> memref<65536xf32, #tpu.memory_space<hbm>>
        %dma_wait3A_261 = tpu.memref_slice %arg2[%add3A_255] : memref<16777216xf32, #tpu.memory_space<hbm>> -> memref<65536xf32, #tpu.memory_space<hbm>>
        tpu.wait_dma2 semaphore(%run_scoped3A : memref<!tpu.dma_semaphore, #tpu.memory_space<semaphore_mem>>) src(%dma_wait3A_261 : memref<65536xf32, #tpu.memory_space<hbm>>) dst(%dma_wait3A : memref<65536xf32, #tpu.memory_space<hbm>>)
        tpu.yield
      }) : () -> ()
    }
    %mul3A_34 = arith.constant 128 : i32
    %mul3A_35 = arith.muli %div3A_22, %mul3A_34 : i32
    %add3A_36 = arith.constant 0 : i32
    %add3A_37 = arith.addi %add3A_36, %mul3A_35 : i32
    %mul3A_38 = arith.constant 128 : i32
    %mul3A_39 = arith.muli %div3A_22, %mul3A_38 : i32
    %sub3A_40 = arith.subi %min3A, %mul3A_39 : i32
    %div3A_41 = arith.constant 16 : i32
    %div3A_42 = arith.divsi %sub3A_40, %div3A_41 : i32
    %while3A_43 = arith.constant 0 : i32
    %while3A_44 = arith.constant 0 : i32
    %while3A_45 = arith.constant 0 : i32
    %while3A_46 = arith.subi %div3A_42, %while3A_45 : i32
    %while3A_47 = arith.addi %while3A_45, %while3A_46 : i32
    %while3A_48 = arith.constant 1 : i32
    %while3A_49 = arith.divsi %while3A_46, %while3A_48 : i32
    %while3A_50 = arith.muli %while3A_49, %while3A_48 : i32
    %while3A_51 = arith.addi %while3A_45, %while3A_50 : i32
    %while3A_52 = arith.constant 1 : i32
    scf.for %while3A_249 = %while3A_45 to %while3A_51 step %while3A_52  : i32 {
      %mul3A_250 = arith.constant 16 : i32
      %mul3A_251 = arith.muli %while3A_249, %mul3A_250 : i32
      %add3A_252 = arith.addi %add3A_37, %mul3A_251 : i32
      %mul3A_253 = arith.constant 512 : i32
      %mul3A_254 = arith.muli %add3A_252, %mul3A_253 : i32
      %add3A_255 = arith.addi %mul3A_21, %mul3A_254 : i32
      %add3A_256 = arith.addi %while3A_44, %add3A_252 : i32
      %mul3A_257 = arith.constant 512 : i32
      %mul3A_258 = arith.muli %add3A_256, %mul3A_257 : i32
      %add3A_259 = arith.addi %mul3A_16, %mul3A_258 : i32
      "tpu.region"() ({
        %run_scoped3A = tpu.sem_alloc : memref<!tpu.dma_semaphore, #tpu.memory_space<semaphore_mem>>
        %dma_start3A = tpu.memref_slice %arg5[%add3A_259] : memref<17039360xf32, #tpu.memory_space<hbm>> -> memref<8192xf32, #tpu.memory_space<hbm>>
        %dma_start3A_260 = tpu.memref_slice %arg2[%add3A_255] : memref<16777216xf32, #tpu.memory_space<hbm>> -> memref<8192xf32, #tpu.memory_space<hbm>>
        tpu.enqueue_dma source(%dma_start3A_260 : memref<8192xf32, #tpu.memory_space<hbm>>) target(%dma_start3A : memref<8192xf32, #tpu.memory_space<hbm>>) target_semaphore(%run_scoped3A : memref<!tpu.dma_semaphore, #tpu.memory_space<semaphore_mem>>)
        %dma_wait3A = tpu.memref_slice %arg5[%add3A_259] : memref<17039360xf32, #tpu.memory_space<hbm>> -> memref<8192xf32, #tpu.memory_space<hbm>>
        %dma_wait3A_261 = tpu.memref_slice %arg2[%add3A_255] : memref<16777216xf32, #tpu.memory_space<hbm>> -> memref<8192xf32, #tpu.memory_space<hbm>>
        tpu.wait_dma2 semaphore(%run_scoped3A : memref<!tpu.dma_semaphore, #tpu.memory_space<semaphore_mem>>) src(%dma_wait3A_261 : memref<8192xf32, #tpu.memory_space<hbm>>) dst(%dma_wait3A : memref<8192xf32, #tpu.memory_space<hbm>>)
        tpu.yield
      }) : () -> ()
    }
    %while3A_53 = arith.constant 1 : i32
    scf.for %while3A_249 = %while3A_51 to %while3A_47 step %while3A_53  : i32 {
      %mul3A_250 = arith.constant 16 : i32
      %mul3A_251 = arith.muli %while3A_249, %mul3A_250 : i32
      %add3A_252 = arith.addi %add3A_37, %mul3A_251 : i32
      %mul3A_253 = arith.constant 512 : i32
      %mul3A_254 = arith.muli %add3A_252, %mul3A_253 : i32
      %add3A_255 = arith.addi %mul3A_21, %mul3A_254 : i32
      %add3A_256 = arith.addi %while3A_44, %add3A_252 : i32
      %mul3A_257 = arith.constant 512 : i32
      %mul3A_258 = arith.muli %add3A_256, %mul3A_257 : i32
      %add3A_259 = arith.addi %mul3A_16, %mul3A_258 : i32
      "tpu.region"() ({
        %run_scoped3A = tpu.sem_alloc : memref<!tpu.dma_semaphore, #tpu.memory_space<semaphore_mem>>
        %dma_start3A = tpu.memref_slice %arg5[%add3A_259] : memref<17039360xf32, #tpu.memory_space<hbm>> -> memref<8192xf32, #tpu.memory_space<hbm>>
        %dma_start3A_260 = tpu.memref_slice %arg2[%add3A_255] : memref<16777216xf32, #tpu.memory_space<hbm>> -> memref<8192xf32, #tpu.memory_space<hbm>>
        tpu.enqueue_dma source(%dma_start3A_260 : memref<8192xf32, #tpu.memory_space<hbm>>) target(%dma_start3A : memref<8192xf32, #tpu.memory_space<hbm>>) target_semaphore(%run_scoped3A : memref<!tpu.dma_semaphore, #tpu.memory_space<semaphore_mem>>)
        %dma_wait3A = tpu.memref_slice %arg5[%add3A_259] : memref<17039360xf32, #tpu.memory_space<hbm>> -> memref<8192xf32, #tpu.memory_space<hbm>>
        %dma_wait3A_261 = tpu.memref_slice %arg2[%add3A_255] : memref<16777216xf32, #tpu.memory_space<hbm>> -> memref<8192xf32, #tpu.memory_space<hbm>>
        tpu.wait_dma2 semaphore(%run_scoped3A : memref<!tpu.dma_semaphore, #tpu.memory_space<semaphore_mem>>) src(%dma_wait3A_261 : memref<8192xf32, #tpu.memory_space<hbm>>) dst(%dma_wait3A : memref<8192xf32, #tpu.memory_space<hbm>>)
        tpu.yield
      }) : () -> ()
    }
    %mul3A_54 = arith.constant 16 : i32
    %mul3A_55 = arith.muli %div3A_42, %mul3A_54 : i32
    %add3A_56 = arith.addi %add3A_37, %mul3A_55 : i32
    %mul3A_57 = arith.constant 16 : i32
    %mul3A_58 = arith.muli %div3A_42, %mul3A_57 : i32
    %sub3A_59 = arith.subi %sub3A_40, %mul3A_58 : i32
    %div3A_60 = arith.constant 2 : i32
    %div3A_61 = arith.divsi %sub3A_59, %div3A_60 : i32
    %while3A_62 = arith.constant 0 : i32
    %while3A_63 = arith.constant 0 : i32
    %while3A_64 = arith.constant 0 : i32
    %while3A_65 = arith.subi %div3A_61, %while3A_64 : i32
    %while3A_66 = arith.addi %while3A_64, %while3A_65 : i32
    %while3A_67 = arith.constant 1 : i32
    %while3A_68 = arith.divsi %while3A_65, %while3A_67 : i32
    %while3A_69 = arith.muli %while3A_68, %while3A_67 : i32
    %while3A_70 = arith.addi %while3A_64, %while3A_69 : i32
    %while3A_71 = arith.constant 1 : i32
    scf.for %while3A_249 = %while3A_64 to %while3A_70 step %while3A_71  : i32 {
      %mul3A_250 = arith.constant 2 : i32
      %mul3A_251 = arith.muli %while3A_249, %mul3A_250 : i32
      %add3A_252 = arith.addi %add3A_56, %mul3A_251 : i32
      %mul3A_253 = arith.constant 512 : i32
      %mul3A_254 = arith.muli %add3A_252, %mul3A_253 : i32
      %add3A_255 = arith.addi %mul3A_21, %mul3A_254 : i32
      %add3A_256 = arith.addi %while3A_63, %add3A_252 : i32
      %mul3A_257 = arith.constant 512 : i32
      %mul3A_258 = arith.muli %add3A_256, %mul3A_257 : i32
      %add3A_259 = arith.addi %mul3A_16, %mul3A_258 : i32
      "tpu.region"() ({
        %run_scoped3A = tpu.sem_alloc : memref<!tpu.dma_semaphore, #tpu.memory_space<semaphore_mem>>
        %dma_start3A = tpu.memref_slice %arg5[%add3A_259] : memref<17039360xf32, #tpu.memory_space<hbm>> -> memref<1024xf32, #tpu.memory_space<hbm>>
        %dma_start3A_260 = tpu.memref_slice %arg2[%add3A_255] : memref<16777216xf32, #tpu.memory_space<hbm>> -> memref<1024xf32, #tpu.memory_space<hbm>>
        tpu.enqueue_dma source(%dma_start3A_260 : memref<1024xf32, #tpu.memory_space<hbm>>) target(%dma_start3A : memref<1024xf32, #tpu.memory_space<hbm>>) target_semaphore(%run_scoped3A : memref<!tpu.dma_semaphore, #tpu.memory_space<semaphore_mem>>)
        %dma_wait3A = tpu.memref_slice %arg5[%add3A_259] : memref<17039360xf32, #tpu.memory_space<hbm>> -> memref<1024xf32, #tpu.memory_space<hbm>>
        %dma_wait3A_261 = tpu.memref_slice %arg2[%add3A_255] : memref<16777216xf32, #tpu.memory_space<hbm>> -> memref<1024xf32, #tpu.memory_space<hbm>>
        tpu.wait_dma2 semaphore(%run_scoped3A : memref<!tpu.dma_semaphore, #tpu.memory_space<semaphore_mem>>) src(%dma_wait3A_261 : memref<1024xf32, #tpu.memory_space<hbm>>) dst(%dma_wait3A : memref<1024xf32, #tpu.memory_space<hbm>>)
        tpu.yield
      }) : () -> ()
    }
    %while3A_72 = arith.constant 1 : i32
    scf.for %while3A_249 = %while3A_70 to %while3A_66 step %while3A_72  : i32 {
      %mul3A_250 = arith.constant 2 : i32
      %mul3A_251 = arith.muli %while3A_249, %mul3A_250 : i32
      %add3A_252 = arith.addi %add3A_56, %mul3A_251 : i32
      %mul3A_253 = arith.constant 512 : i32
      %mul3A_254 = arith.muli %add3A_252, %mul3A_253 : i32
      %add3A_255 = arith.addi %mul3A_21, %mul3A_254 : i32
      %add3A_256 = arith.addi %while3A_63, %add3A_252 : i32
      %mul3A_257 = arith.constant 512 : i32
      %mul3A_258 = arith.muli %add3A_256, %mul3A_257 : i32
      %add3A_259 = arith.addi %mul3A_16, %mul3A_258 : i32
      "tpu.region"() ({
        %run_scoped3A = tpu.sem_alloc : memref<!tpu.dma_semaphore, #tpu.memory_space<semaphore_mem>>
        %dma_start3A = tpu.memref_slice %arg5[%add3A_259] : memref<17039360xf32, #tpu.memory_space<hbm>> -> memref<1024xf32, #tpu.memory_space<hbm>>
        %dma_start3A_260 = tpu.memref_slice %arg2[%add3A_255] : memref<16777216xf32, #tpu.memory_space<hbm>> -> memref<1024xf32, #tpu.memory_space<hbm>>
        tpu.enqueue_dma source(%dma_start3A_260 : memref<1024xf32, #tpu.memory_space<hbm>>) target(%dma_start3A : memref<1024xf32, #tpu.memory_space<hbm>>) target_semaphore(%run_scoped3A : memref<!tpu.dma_semaphore, #tpu.memory_space<semaphore_mem>>)
        %dma_wait3A = tpu.memref_slice %arg5[%add3A_259] : memref<17039360xf32, #tpu.memory_space<hbm>> -> memref<1024xf32, #tpu.memory_space<hbm>>
        %dma_wait3A_261 = tpu.memref_slice %arg2[%add3A_255] : memref<16777216xf32, #tpu.memory_space<hbm>> -> memref<1024xf32, #tpu.memory_space<hbm>>
        tpu.wait_dma2 semaphore(%run_scoped3A : memref<!tpu.dma_semaphore, #tpu.memory_space<semaphore_mem>>) src(%dma_wait3A_261 : memref<1024xf32, #tpu.memory_space<hbm>>) dst(%dma_wait3A : memref<1024xf32, #tpu.memory_space<hbm>>)
        tpu.yield
      }) : () -> ()
    }
    %mul3A_73 = arith.constant 2 : i32
    %mul3A_74 = arith.muli %div3A_61, %mul3A_73 : i32
    %add3A_75 = arith.addi %add3A_56, %mul3A_74 : i32
    %mul3A_76 = arith.constant 2 : i32
    %mul3A_77 = arith.muli %div3A_61, %mul3A_76 : i32
    %sub3A_78 = arith.subi %sub3A_59, %mul3A_77 : i32
    %div3A_79 = arith.constant 1 : i32
    %div3A_80 = arith.divsi %sub3A_78, %div3A_79 : i32
    %while3A_81 = arith.constant 0 : i32
    %while3A_82 = arith.constant 0 : i32
    %while3A_83 = arith.constant 0 : i32
    %while3A_84 = arith.subi %div3A_80, %while3A_83 : i32
    %while3A_85 = arith.addi %while3A_83, %while3A_84 : i32
    %while3A_86 = arith.constant 1 : i32
    %while3A_87 = arith.divsi %while3A_84, %while3A_86 : i32
    %while3A_88 = arith.muli %while3A_87, %while3A_86 : i32
    %while3A_89 = arith.addi %while3A_83, %while3A_88 : i32
    %while3A_90 = arith.constant 1 : i32
    scf.for %while3A_249 = %while3A_83 to %while3A_89 step %while3A_90  : i32 {
      %mul3A_250 = arith.constant 1 : i32
      %mul3A_251 = arith.muli %while3A_249, %mul3A_250 : i32
      %add3A_252 = arith.addi %add3A_75, %mul3A_251 : i32
      %mul3A_253 = arith.constant 512 : i32
      %mul3A_254 = arith.muli %add3A_252, %mul3A_253 : i32
      %add3A_255 = arith.addi %mul3A_21, %mul3A_254 : i32
      %add3A_256 = arith.addi %while3A_82, %add3A_252 : i32
      %mul3A_257 = arith.constant 512 : i32
      %mul3A_258 = arith.muli %add3A_256, %mul3A_257 : i32
      %add3A_259 = arith.addi %mul3A_16, %mul3A_258 : i32
      "tpu.region"() ({
        %run_scoped3A = tpu.sem_alloc : memref<!tpu.dma_semaphore, #tpu.memory_space<semaphore_mem>>
        %dma_start3A = tpu.memref_slice %arg5[%add3A_259] : memref<17039360xf32, #tpu.memory_space<hbm>> -> memref<512xf32, #tpu.memory_space<hbm>>
        %dma_start3A_260 = tpu.memref_slice %arg2[%add3A_255] : memref<16777216xf32, #tpu.memory_space<hbm>> -> memref<512xf32, #tpu.memory_space<hbm>>
        tpu.enqueue_dma source(%dma_start3A_260 : memref<512xf32, #tpu.memory_space<hbm>>) target(%dma_start3A : memref<512xf32, #tpu.memory_space<hbm>>) target_semaphore(%run_scoped3A : memref<!tpu.dma_semaphore, #tpu.memory_space<semaphore_mem>>)
        %dma_wait3A = tpu.memref_slice %arg5[%add3A_259] : memref<17039360xf32, #tpu.memory_space<hbm>> -> memref<512xf32, #tpu.memory_space<hbm>>
        %dma_wait3A_261 = tpu.memref_slice %arg2[%add3A_255] : memref<16777216xf32, #tpu.memory_space<hbm>> -> memref<512xf32, #tpu.memory_space<hbm>>
        tpu.wait_dma2 semaphore(%run_scoped3A : memref<!tpu.dma_semaphore, #tpu.memory_space<semaphore_mem>>) src(%dma_wait3A_261 : memref<512xf32, #tpu.memory_space<hbm>>) dst(%dma_wait3A : memref<512xf32, #tpu.memory_space<hbm>>)
        tpu.yield
      }) : () -> ()
    }
    %while3A_91 = arith.constant 1 : i32
    scf.for %while3A_249 = %while3A_89 to %while3A_85 step %while3A_91  : i32 {
      %mul3A_250 = arith.constant 1 : i32
      %mul3A_251 = arith.muli %while3A_249, %mul3A_250 : i32
      %add3A_252 = arith.addi %add3A_75, %mul3A_251 : i32
      %mul3A_253 = arith.constant 512 : i32
      %mul3A_254 = arith.muli %add3A_252, %mul3A_253 : i32
      %add3A_255 = arith.addi %mul3A_21, %mul3A_254 : i32
      %add3A_256 = arith.addi %while3A_82, %add3A_252 : i32
      %mul3A_257 = arith.constant 512 : i32
      %mul3A_258 = arith.muli %add3A_256, %mul3A_257 : i32
      %add3A_259 = arith.addi %mul3A_16, %mul3A_258 : i32
      "tpu.region"() ({
        %run_scoped3A = tpu.sem_alloc : memref<!tpu.dma_semaphore, #tpu.memory_space<semaphore_mem>>
        %dma_start3A = tpu.memref_slice %arg5[%add3A_259] : memref<17039360xf32, #tpu.memory_space<hbm>> -> memref<512xf32, #tpu.memory_space<hbm>>
        %dma_start3A_260 = tpu.memref_slice %arg2[%add3A_255] : memref<16777216xf32, #tpu.memory_space<hbm>> -> memref<512xf32, #tpu.memory_space<hbm>>
        tpu.enqueue_dma source(%dma_start3A_260 : memref<512xf32, #tpu.memory_space<hbm>>) target(%dma_start3A : memref<512xf32, #tpu.memory_space<hbm>>) target_semaphore(%run_scoped3A : memref<!tpu.dma_semaphore, #tpu.memory_space<semaphore_mem>>)
        %dma_wait3A = tpu.memref_slice %arg5[%add3A_259] : memref<17039360xf32, #tpu.memory_space<hbm>> -> memref<512xf32, #tpu.memory_space<hbm>>
        %dma_wait3A_261 = tpu.memref_slice %arg2[%add3A_255] : memref<16777216xf32, #tpu.memory_space<hbm>> -> memref<512xf32, #tpu.memory_space<hbm>>
        tpu.wait_dma2 semaphore(%run_scoped3A : memref<!tpu.dma_semaphore, #tpu.memory_space<semaphore_mem>>) src(%dma_wait3A_261 : memref<512xf32, #tpu.memory_space<hbm>>) dst(%dma_wait3A : memref<512xf32, #tpu.memory_space<hbm>>)
        tpu.yield
      }) : () -> ()
    }
    %mul3A_92 = arith.constant 1 : i32
    %mul3A_93 = arith.muli %div3A_80, %mul3A_92 : i32
    %add3A_94 = arith.addi %add3A_75, %mul3A_93 : i32
    %mul3A_95 = arith.constant 1 : i32
    %mul3A_96 = arith.muli %div3A_80, %mul3A_95 : i32
    %sub3A_97 = arith.subi %sub3A_78, %mul3A_96 : i32
    %sub3A_98 = arith.subi %min3A_9, %min3A : i32
    %div3A_99 = arith.constant 128 : i32
    %div3A_100 = arith.divsi %sub3A_98, %div3A_99 : i32
    %while3A_101 = arith.constant 0 : i32
    %while3A_102 = arith.constant 0 : i32
    %while3A_103 = arith.constant 0 : i32
    %while3A_104 = arith.subi %div3A_100, %while3A_103 : i32
    %while3A_105 = arith.addi %while3A_103, %while3A_104 : i32
    %while3A_106 = arith.constant 1 : i32
    %while3A_107 = arith.divsi %while3A_104, %while3A_106 : i32
    %while3A_108 = arith.muli %while3A_107, %while3A_106 : i32
    %while3A_109 = arith.addi %while3A_103, %while3A_108 : i32
    %while3A_110 = arith.constant 1 : i32
    scf.for %while3A_249 = %while3A_103 to %while3A_109 step %while3A_110  : i32 {
      %mul3A_250 = arith.constant 128 : i32
      %mul3A_251 = arith.muli %while3A_249, %mul3A_250 : i32
      %add3A_252 = arith.addi %while3A_102, %mul3A_251 : i32
      %add3A_253 = arith.addi %sub3A_11, %add3A_252 : i32
      %mul3A_254 = arith.constant 512 : i32
      %mul3A_255 = arith.muli %add3A_253, %mul3A_254 : i32
      %add3A_256 = arith.addi %min3A, %add3A_252 : i32
      %mul3A_257 = arith.constant 512 : i32
      %mul3A_258 = arith.muli %add3A_256, %mul3A_257 : i32
      %add3A_259 = arith.addi %mul3A_16, %mul3A_258 : i32
      "tpu.region"() ({
        %run_scoped3A = tpu.sem_alloc : memref<!tpu.dma_semaphore, #tpu.memory_space<semaphore_mem>>
        %dma_start3A = tpu.memref_slice %arg7[%mul3A_255] : memref<81920xf32, #tpu.memory_space<vmem>> -> memref<65536xf32, #tpu.memory_space<vmem>>
        %dma_start3A_260 = tpu.memref_slice %arg5[%add3A_259] : memref<17039360xf32, #tpu.memory_space<hbm>> -> memref<65536xf32, #tpu.memory_space<hbm>>
        %dma_start3A_261 = tpu.memref_slice %arg5[%add3A_259] : memref<17039360xf32, #tpu.memory_space<hbm>> -> memref<65536xf32, #tpu.memory_space<hbm>>
        %dma_start3A_262 = tpu.memref_slice %arg7[%mul3A_255] : memref<81920xf32, #tpu.memory_space<vmem>> -> memref<65536xf32, #tpu.memory_space<vmem>>
        tpu.enqueue_dma source(%dma_start3A_262 : memref<65536xf32, #tpu.memory_space<vmem>>) target(%dma_start3A_261 : memref<65536xf32, #tpu.memory_space<hbm>>) target_semaphore(%run_scoped3A : memref<!tpu.dma_semaphore, #tpu.memory_space<semaphore_mem>>)
        %dma_wait3A = tpu.memref_slice %arg7[%mul3A_255] : memref<81920xf32, #tpu.memory_space<vmem>> -> memref<65536xf32, #tpu.memory_space<vmem>>
        %dma_wait3A_263 = tpu.memref_slice %arg5[%add3A_259] : memref<17039360xf32, #tpu.memory_space<hbm>> -> memref<65536xf32, #tpu.memory_space<hbm>>
        %dma_wait3A_264 = tpu.memref_slice %arg5[%add3A_259] : memref<17039360xf32, #tpu.memory_space<hbm>> -> memref<65536xf32, #tpu.memory_space<hbm>>
        %dma_wait3A_265 = tpu.memref_slice %arg7[%mul3A_255] : memref<81920xf32, #tpu.memory_space<vmem>> -> memref<65536xf32, #tpu.memory_space<vmem>>
        tpu.wait_dma2 semaphore(%run_scoped3A : memref<!tpu.dma_semaphore, #tpu.memory_space<semaphore_mem>>) src(%dma_wait3A_265 : memref<65536xf32, #tpu.memory_space<vmem>>) dst(%dma_wait3A_264 : memref<65536xf32, #tpu.memory_space<hbm>>)
        tpu.yield
      }) : () -> ()
    }
    %while3A_111 = arith.constant 1 : i32
    scf.for %while3A_249 = %while3A_109 to %while3A_105 step %while3A_111  : i32 {
      %mul3A_250 = arith.constant 128 : i32
      %mul3A_251 = arith.muli %while3A_249, %mul3A_250 : i32
      %add3A_252 = arith.addi %while3A_102, %mul3A_251 : i32
      %add3A_253 = arith.addi %sub3A_11, %add3A_252 : i32
      %mul3A_254 = arith.constant 512 : i32
      %mul3A_255 = arith.muli %add3A_253, %mul3A_254 : i32
      %add3A_256 = arith.addi %min3A, %add3A_252 : i32
      %mul3A_257 = arith.constant 512 : i32
      %mul3A_258 = arith.muli %add3A_256, %mul3A_257 : i32
      %add3A_259 = arith.addi %mul3A_16, %mul3A_258 : i32
      "tpu.region"() ({
        %run_scoped3A = tpu.sem_alloc : memref<!tpu.dma_semaphore, #tpu.memory_space<semaphore_mem>>
        %dma_start3A = tpu.memref_slice %arg7[%mul3A_255] : memref<81920xf32, #tpu.memory_space<vmem>> -> memref<65536xf32, #tpu.memory_space<vmem>>
        %dma_start3A_260 = tpu.memref_slice %arg5[%add3A_259] : memref<17039360xf32, #tpu.memory_space<hbm>> -> memref<65536xf32, #tpu.memory_space<hbm>>
        %dma_start3A_261 = tpu.memref_slice %arg5[%add3A_259] : memref<17039360xf32, #tpu.memory_space<hbm>> -> memref<65536xf32, #tpu.memory_space<hbm>>
        %dma_start3A_262 = tpu.memref_slice %arg7[%mul3A_255] : memref<81920xf32, #tpu.memory_space<vmem>> -> memref<65536xf32, #tpu.memory_space<vmem>>
        tpu.enqueue_dma source(%dma_start3A_262 : memref<65536xf32, #tpu.memory_space<vmem>>) target(%dma_start3A_261 : memref<65536xf32, #tpu.memory_space<hbm>>) target_semaphore(%run_scoped3A : memref<!tpu.dma_semaphore, #tpu.memory_space<semaphore_mem>>)
        %dma_wait3A = tpu.memref_slice %arg7[%mul3A_255] : memref<81920xf32, #tpu.memory_space<vmem>> -> memref<65536xf32, #tpu.memory_space<vmem>>
        %dma_wait3A_263 = tpu.memref_slice %arg5[%add3A_259] : memref<17039360xf32, #tpu.memory_space<hbm>> -> memref<65536xf32, #tpu.memory_space<hbm>>
        %dma_wait3A_264 = tpu.memref_slice %arg5[%add3A_259] : memref<17039360xf32, #tpu.memory_space<hbm>> -> memref<65536xf32, #tpu.memory_space<hbm>>
        %dma_wait3A_265 = tpu.memref_slice %arg7[%mul3A_255] : memref<81920xf32, #tpu.memory_space<vmem>> -> memref<65536xf32, #tpu.memory_space<vmem>>
        tpu.wait_dma2 semaphore(%run_scoped3A : memref<!tpu.dma_semaphore, #tpu.memory_space<semaphore_mem>>) src(%dma_wait3A_265 : memref<65536xf32, #tpu.memory_space<vmem>>) dst(%dma_wait3A_264 : memref<65536xf32, #tpu.memory_space<hbm>>)
        tpu.yield
      }) : () -> ()
    }
    %mul3A_112 = arith.constant 128 : i32
    %mul3A_113 = arith.muli %div3A_100, %mul3A_112 : i32
    %add3A_114 = arith.constant 0 : i32
    %add3A_115 = arith.addi %add3A_114, %mul3A_113 : i32
    %mul3A_116 = arith.constant 128 : i32
    %mul3A_117 = arith.muli %div3A_100, %mul3A_116 : i32
    %sub3A_118 = arith.subi %sub3A_98, %mul3A_117 : i32
    %div3A_119 = arith.constant 16 : i32
    %div3A_120 = arith.divsi %sub3A_118, %div3A_119 : i32
    %while3A_121 = arith.constant 0 : i32
    %while3A_122 = arith.constant 0 : i32
    %while3A_123 = arith.subi %div3A_120, %while3A_122 : i32
    %while3A_124 = arith.addi %while3A_122, %while3A_123 : i32
    %while3A_125 = arith.constant 1 : i32
    %while3A_126 = arith.divsi %while3A_123, %while3A_125 : i32
    %while3A_127 = arith.muli %while3A_126, %while3A_125 : i32
    %while3A_128 = arith.addi %while3A_122, %while3A_127 : i32
    %while3A_129 = arith.constant 1 : i32
    scf.for %while3A_249 = %while3A_122 to %while3A_128 step %while3A_129  : i32 {
      %mul3A_250 = arith.constant 16 : i32
      %mul3A_251 = arith.muli %while3A_249, %mul3A_250 : i32
      %add3A_252 = arith.addi %add3A_115, %mul3A_251 : i32
      %add3A_253 = arith.addi %sub3A_11, %add3A_252 : i32
      %mul3A_254 = arith.constant 512 : i32
      %mul3A_255 = arith.muli %add3A_253, %mul3A_254 : i32
      %add3A_256 = arith.addi %min3A, %add3A_252 : i32
      %mul3A_257 = arith.constant 512 : i32
      %mul3A_258 = arith.muli %add3A_256, %mul3A_257 : i32
      %add3A_259 = arith.addi %mul3A_16, %mul3A_258 : i32
      "tpu.region"() ({
        %run_scoped3A = tpu.sem_alloc : memref<!tpu.dma_semaphore, #tpu.memory_space<semaphore_mem>>
        %dma_start3A = tpu.memref_slice %arg7[%mul3A_255] : memref<81920xf32, #tpu.memory_space<vmem>> -> memref<8192xf32, #tpu.memory_space<vmem>>
        %dma_start3A_260 = tpu.memref_slice %arg5[%add3A_259] : memref<17039360xf32, #tpu.memory_space<hbm>> -> memref<8192xf32, #tpu.memory_space<hbm>>
        %dma_start3A_261 = tpu.memref_slice %arg5[%add3A_259] : memref<17039360xf32, #tpu.memory_space<hbm>> -> memref<8192xf32, #tpu.memory_space<hbm>>
        %dma_start3A_262 = tpu.memref_slice %arg7[%mul3A_255] : memref<81920xf32, #tpu.memory_space<vmem>> -> memref<8192xf32, #tpu.memory_space<vmem>>
        tpu.enqueue_dma source(%dma_start3A_262 : memref<8192xf32, #tpu.memory_space<vmem>>) target(%dma_start3A_261 : memref<8192xf32, #tpu.memory_space<hbm>>) target_semaphore(%run_scoped3A : memref<!tpu.dma_semaphore, #tpu.memory_space<semaphore_mem>>)
        %dma_wait3A = tpu.memref_slice %arg7[%mul3A_255] : memref<81920xf32, #tpu.memory_space<vmem>> -> memref<8192xf32, #tpu.memory_space<vmem>>
        %dma_wait3A_263 = tpu.memref_slice %arg5[%add3A_259] : memref<17039360xf32, #tpu.memory_space<hbm>> -> memref<8192xf32, #tpu.memory_space<hbm>>
        %dma_wait3A_264 = tpu.memref_slice %arg5[%add3A_259] : memref<17039360xf32, #tpu.memory_space<hbm>> -> memref<8192xf32, #tpu.memory_space<hbm>>
        %dma_wait3A_265 = tpu.memref_slice %arg7[%mul3A_255] : memref<81920xf32, #tpu.memory_space<vmem>> -> memref<8192xf32, #tpu.memory_space<vmem>>
        tpu.wait_dma2 semaphore(%run_scoped3A : memref<!tpu.dma_semaphore, #tpu.memory_space<semaphore_mem>>) src(%dma_wait3A_265 : memref<8192xf32, #tpu.memory_space<vmem>>) dst(%dma_wait3A_264 : memref<8192xf32, #tpu.memory_space<hbm>>)
        tpu.yield
      }) : () -> ()
    }
    %while3A_130 = arith.constant 1 : i32
    scf.for %while3A_249 = %while3A_128 to %while3A_124 step %while3A_130  : i32 {
      %mul3A_250 = arith.constant 16 : i32
      %mul3A_251 = arith.muli %while3A_249, %mul3A_250 : i32
      %add3A_252 = arith.addi %add3A_115, %mul3A_251 : i32
      %add3A_253 = arith.addi %sub3A_11, %add3A_252 : i32
      %mul3A_254 = arith.constant 512 : i32
      %mul3A_255 = arith.muli %add3A_253, %mul3A_254 : i32
      %add3A_256 = arith.addi %min3A, %add3A_252 : i32
      %mul3A_257 = arith.constant 512 : i32
      %mul3A_258 = arith.muli %add3A_256, %mul3A_257 : i32
      %add3A_259 = arith.addi %mul3A_16, %mul3A_258 : i32
      "tpu.region"() ({
        %run_scoped3A = tpu.sem_alloc : memref<!tpu.dma_semaphore, #tpu.memory_space<semaphore_mem>>
        %dma_start3A = tpu.memref_slice %arg7[%mul3A_255] : memref<81920xf32, #tpu.memory_space<vmem>> -> memref<8192xf32, #tpu.memory_space<vmem>>
        %dma_start3A_260 = tpu.memref_slice %arg5[%add3A_259] : memref<17039360xf32, #tpu.memory_space<hbm>> -> memref<8192xf32, #tpu.memory_space<hbm>>
        %dma_start3A_261 = tpu.memref_slice %arg5[%add3A_259] : memref<17039360xf32, #tpu.memory_space<hbm>> -> memref<8192xf32, #tpu.memory_space<hbm>>
        %dma_start3A_262 = tpu.memref_slice %arg7[%mul3A_255] : memref<81920xf32, #tpu.memory_space<vmem>> -> memref<8192xf32, #tpu.memory_space<vmem>>
        tpu.enqueue_dma source(%dma_start3A_262 : memref<8192xf32, #tpu.memory_space<vmem>>) target(%dma_start3A_261 : memref<8192xf32, #tpu.memory_space<hbm>>) target_semaphore(%run_scoped3A : memref<!tpu.dma_semaphore, #tpu.memory_space<semaphore_mem>>)
        %dma_wait3A = tpu.memref_slice %arg7[%mul3A_255] : memref<81920xf32, #tpu.memory_space<vmem>> -> memref<8192xf32, #tpu.memory_space<vmem>>
        %dma_wait3A_263 = tpu.memref_slice %arg5[%add3A_259] : memref<17039360xf32, #tpu.memory_space<hbm>> -> memref<8192xf32, #tpu.memory_space<hbm>>
        %dma_wait3A_264 = tpu.memref_slice %arg5[%add3A_259] : memref<17039360xf32, #tpu.memory_space<hbm>> -> memref<8192xf32, #tpu.memory_space<hbm>>
        %dma_wait3A_265 = tpu.memref_slice %arg7[%mul3A_255] : memref<81920xf32, #tpu.memory_space<vmem>> -> memref<8192xf32, #tpu.memory_space<vmem>>
        tpu.wait_dma2 semaphore(%run_scoped3A : memref<!tpu.dma_semaphore, #tpu.memory_space<semaphore_mem>>) src(%dma_wait3A_265 : memref<8192xf32, #tpu.memory_space<vmem>>) dst(%dma_wait3A_264 : memref<8192xf32, #tpu.memory_space<hbm>>)
        tpu.yield
      }) : () -> ()
    }
    %mul3A_131 = arith.constant 16 : i32
    %mul3A_132 = arith.muli %div3A_120, %mul3A_131 : i32
    %add3A_133 = arith.addi %add3A_115, %mul3A_132 : i32
    %mul3A_134 = arith.constant 16 : i32
    %mul3A_135 = arith.muli %div3A_120, %mul3A_134 : i32
    %sub3A_136 = arith.subi %sub3A_118, %mul3A_135 : i32
    %div3A_137 = arith.constant 2 : i32
    %div3A_138 = arith.divsi %sub3A_136, %div3A_137 : i32
    %while3A_139 = arith.constant 0 : i32
    %while3A_140 = arith.constant 0 : i32
    %while3A_141 = arith.subi %div3A_138, %while3A_140 : i32
    %while3A_142 = arith.addi %while3A_140, %while3A_141 : i32
    %while3A_143 = arith.constant 1 : i32
    %while3A_144 = arith.divsi %while3A_141, %while3A_143 : i32
    %while3A_145 = arith.muli %while3A_144, %while3A_143 : i32
    %while3A_146 = arith.addi %while3A_140, %while3A_145 : i32
    %while3A_147 = arith.constant 1 : i32
    scf.for %while3A_249 = %while3A_140 to %while3A_146 step %while3A_147  : i32 {
      %mul3A_250 = arith.constant 2 : i32
      %mul3A_251 = arith.muli %while3A_249, %mul3A_250 : i32
      %add3A_252 = arith.addi %add3A_133, %mul3A_251 : i32
      %add3A_253 = arith.addi %sub3A_11, %add3A_252 : i32
      %mul3A_254 = arith.constant 512 : i32
      %mul3A_255 = arith.muli %add3A_253, %mul3A_254 : i32
      %add3A_256 = arith.addi %min3A, %add3A_252 : i32
      %mul3A_257 = arith.constant 512 : i32
      %mul3A_258 = arith.muli %add3A_256, %mul3A_257 : i32
      %add3A_259 = arith.addi %mul3A_16, %mul3A_258 : i32
      "tpu.region"() ({
        %run_scoped3A = tpu.sem_alloc : memref<!tpu.dma_semaphore, #tpu.memory_space<semaphore_mem>>
        %dma_start3A = tpu.memref_slice %arg7[%mul3A_255] : memref<81920xf32, #tpu.memory_space<vmem>> -> memref<1024xf32, #tpu.memory_space<vmem>>
        %dma_start3A_260 = tpu.memref_slice %arg5[%add3A_259] : memref<17039360xf32, #tpu.memory_space<hbm>> -> memref<1024xf32, #tpu.memory_space<hbm>>
        %dma_start3A_261 = tpu.memref_slice %arg5[%add3A_259] : memref<17039360xf32, #tpu.memory_space<hbm>> -> memref<1024xf32, #tpu.memory_space<hbm>>
        %dma_start3A_262 = tpu.memref_slice %arg7[%mul3A_255] : memref<81920xf32, #tpu.memory_space<vmem>> -> memref<1024xf32, #tpu.memory_space<vmem>>
        tpu.enqueue_dma source(%dma_start3A_262 : memref<1024xf32, #tpu.memory_space<vmem>>) target(%dma_start3A_261 : memref<1024xf32, #tpu.memory_space<hbm>>) target_semaphore(%run_scoped3A : memref<!tpu.dma_semaphore, #tpu.memory_space<semaphore_mem>>)
        %dma_wait3A = tpu.memref_slice %arg7[%mul3A_255] : memref<81920xf32, #tpu.memory_space<vmem>> -> memref<1024xf32, #tpu.memory_space<vmem>>
        %dma_wait3A_263 = tpu.memref_slice %arg5[%add3A_259] : memref<17039360xf32, #tpu.memory_space<hbm>> -> memref<1024xf32, #tpu.memory_space<hbm>>
        %dma_wait3A_264 = tpu.memref_slice %arg5[%add3A_259] : memref<17039360xf32, #tpu.memory_space<hbm>> -> memref<1024xf32, #tpu.memory_space<hbm>>
        %dma_wait3A_265 = tpu.memref_slice %arg7[%mul3A_255] : memref<81920xf32, #tpu.memory_space<vmem>> -> memref<1024xf32, #tpu.memory_space<vmem>>
        tpu.wait_dma2 semaphore(%run_scoped3A : memref<!tpu.dma_semaphore, #tpu.memory_space<semaphore_mem>>) src(%dma_wait3A_265 : memref<1024xf32, #tpu.memory_space<vmem>>) dst(%dma_wait3A_264 : memref<1024xf32, #tpu.memory_space<hbm>>)
        tpu.yield
      }) : () -> ()
    }
    %while3A_148 = arith.constant 1 : i32
    scf.for %while3A_249 = %while3A_146 to %while3A_142 step %while3A_148  : i32 {
      %mul3A_250 = arith.constant 2 : i32
      %mul3A_251 = arith.muli %while3A_249, %mul3A_250 : i32
      %add3A_252 = arith.addi %add3A_133, %mul3A_251 : i32
      %add3A_253 = arith.addi %sub3A_11, %add3A_252 : i32
      %mul3A_254 = arith.constant 512 : i32
      %mul3A_255 = arith.muli %add3A_253, %mul3A_254 : i32
      %add3A_256 = arith.addi %min3A, %add3A_252 : i32
      %mul3A_257 = arith.constant 512 : i32
      %mul3A_258 = arith.muli %add3A_256, %mul3A_257 : i32
      %add3A_259 = arith.addi %mul3A_16, %mul3A_258 : i32
      "tpu.region"() ({
        %run_scoped3A = tpu.sem_alloc : memref<!tpu.dma_semaphore, #tpu.memory_space<semaphore_mem>>
        %dma_start3A = tpu.memref_slice %arg7[%mul3A_255] : memref<81920xf32, #tpu.memory_space<vmem>> -> memref<1024xf32, #tpu.memory_space<vmem>>
        %dma_start3A_260 = tpu.memref_slice %arg5[%add3A_259] : memref<17039360xf32, #tpu.memory_space<hbm>> -> memref<1024xf32, #tpu.memory_space<hbm>>
        %dma_start3A_261 = tpu.memref_slice %arg5[%add3A_259] : memref<17039360xf32, #tpu.memory_space<hbm>> -> memref<1024xf32, #tpu.memory_space<hbm>>
        %dma_start3A_262 = tpu.memref_slice %arg7[%mul3A_255] : memref<81920xf32, #tpu.memory_space<vmem>> -> memref<1024xf32, #tpu.memory_space<vmem>>
        tpu.enqueue_dma source(%dma_start3A_262 : memref<1024xf32, #tpu.memory_space<vmem>>) target(%dma_start3A_261 : memref<1024xf32, #tpu.memory_space<hbm>>) target_semaphore(%run_scoped3A : memref<!tpu.dma_semaphore, #tpu.memory_space<semaphore_mem>>)
        %dma_wait3A = tpu.memref_slice %arg7[%mul3A_255] : memref<81920xf32, #tpu.memory_space<vmem>> -> memref<1024xf32, #tpu.memory_space<vmem>>
        %dma_wait3A_263 = tpu.memref_slice %arg5[%add3A_259] : memref<17039360xf32, #tpu.memory_space<hbm>> -> memref<1024xf32, #tpu.memory_space<hbm>>
        %dma_wait3A_264 = tpu.memref_slice %arg5[%add3A_259] : memref<17039360xf32, #tpu.memory_space<hbm>> -> memref<1024xf32, #tpu.memory_space<hbm>>
        %dma_wait3A_265 = tpu.memref_slice %arg7[%mul3A_255] : memref<81920xf32, #tpu.memory_space<vmem>> -> memref<1024xf32, #tpu.memory_space<vmem>>
        tpu.wait_dma2 semaphore(%run_scoped3A : memref<!tpu.dma_semaphore, #tpu.memory_space<semaphore_mem>>) src(%dma_wait3A_265 : memref<1024xf32, #tpu.memory_space<vmem>>) dst(%dma_wait3A_264 : memref<1024xf32, #tpu.memory_space<hbm>>)
        tpu.yield
      }) : () -> ()
    }
    %mul3A_149 = arith.constant 2 : i32
    %mul3A_150 = arith.muli %div3A_138, %mul3A_149 : i32
    %add3A_151 = arith.addi %add3A_133, %mul3A_150 : i32
    %mul3A_152 = arith.constant 2 : i32
    %mul3A_153 = arith.muli %div3A_138, %mul3A_152 : i32
    %sub3A_154 = arith.subi %sub3A_136, %mul3A_153 : i32
    %div3A_155 = arith.constant 1 : i32
    %div3A_156 = arith.divsi %sub3A_154, %div3A_155 : i32
    %while3A_157 = arith.constant 0 : i32
    %while3A_158 = arith.constant 0 : i32
    %while3A_159 = arith.subi %div3A_156, %while3A_158 : i32
    %while3A_160 = arith.addi %while3A_158, %while3A_159 : i32
    %while3A_161 = arith.constant 1 : i32
    %while3A_162 = arith.divsi %while3A_159, %while3A_161 : i32
    %while3A_163 = arith.muli %while3A_162, %while3A_161 : i32
    %while3A_164 = arith.addi %while3A_158, %while3A_163 : i32
    %while3A_165 = arith.constant 1 : i32
    scf.for %while3A_249 = %while3A_158 to %while3A_164 step %while3A_165  : i32 {
      %mul3A_250 = arith.constant 1 : i32
      %mul3A_251 = arith.muli %while3A_249, %mul3A_250 : i32
      %add3A_252 = arith.addi %add3A_151, %mul3A_251 : i32
      %add3A_253 = arith.addi %sub3A_11, %add3A_252 : i32
      %mul3A_254 = arith.constant 512 : i32
      %mul3A_255 = arith.muli %add3A_253, %mul3A_254 : i32
      %add3A_256 = arith.addi %min3A, %add3A_252 : i32
      %mul3A_257 = arith.constant 512 : i32
      %mul3A_258 = arith.muli %add3A_256, %mul3A_257 : i32
      %add3A_259 = arith.addi %mul3A_16, %mul3A_258 : i32
      "tpu.region"() ({
        %run_scoped3A = tpu.sem_alloc : memref<!tpu.dma_semaphore, #tpu.memory_space<semaphore_mem>>
        %dma_start3A = tpu.memref_slice %arg7[%mul3A_255] : memref<81920xf32, #tpu.memory_space<vmem>> -> memref<512xf32, #tpu.memory_space<vmem>>
        %dma_start3A_260 = tpu.memref_slice %arg5[%add3A_259] : memref<17039360xf32, #tpu.memory_space<hbm>> -> memref<512xf32, #tpu.memory_space<hbm>>
        %dma_start3A_261 = tpu.memref_slice %arg5[%add3A_259] : memref<17039360xf32, #tpu.memory_space<hbm>> -> memref<512xf32, #tpu.memory_space<hbm>>
        %dma_start3A_262 = tpu.memref_slice %arg7[%mul3A_255] : memref<81920xf32, #tpu.memory_space<vmem>> -> memref<512xf32, #tpu.memory_space<vmem>>
        tpu.enqueue_dma source(%dma_start3A_262 : memref<512xf32, #tpu.memory_space<vmem>>) target(%dma_start3A_261 : memref<512xf32, #tpu.memory_space<hbm>>) target_semaphore(%run_scoped3A : memref<!tpu.dma_semaphore, #tpu.memory_space<semaphore_mem>>)
        %dma_wait3A = tpu.memref_slice %arg7[%mul3A_255] : memref<81920xf32, #tpu.memory_space<vmem>> -> memref<512xf32, #tpu.memory_space<vmem>>
        %dma_wait3A_263 = tpu.memref_slice %arg5[%add3A_259] : memref<17039360xf32, #tpu.memory_space<hbm>> -> memref<512xf32, #tpu.memory_space<hbm>>
        %dma_wait3A_264 = tpu.memref_slice %arg5[%add3A_259] : memref<17039360xf32, #tpu.memory_space<hbm>> -> memref<512xf32, #tpu.memory_space<hbm>>
        %dma_wait3A_265 = tpu.memref_slice %arg7[%mul3A_255] : memref<81920xf32, #tpu.memory_space<vmem>> -> memref<512xf32, #tpu.memory_space<vmem>>
        tpu.wait_dma2 semaphore(%run_scoped3A : memref<!tpu.dma_semaphore, #tpu.memory_space<semaphore_mem>>) src(%dma_wait3A_265 : memref<512xf32, #tpu.memory_space<vmem>>) dst(%dma_wait3A_264 : memref<512xf32, #tpu.memory_space<hbm>>)
        tpu.yield
      }) : () -> ()
    }
    %while3A_166 = arith.constant 1 : i32
    scf.for %while3A_249 = %while3A_164 to %while3A_160 step %while3A_166  : i32 {
      %mul3A_250 = arith.constant 1 : i32
      %mul3A_251 = arith.muli %while3A_249, %mul3A_250 : i32
      %add3A_252 = arith.addi %add3A_151, %mul3A_251 : i32
      %add3A_253 = arith.addi %sub3A_11, %add3A_252 : i32
      %mul3A_254 = arith.constant 512 : i32
      %mul3A_255 = arith.muli %add3A_253, %mul3A_254 : i32
      %add3A_256 = arith.addi %min3A, %add3A_252 : i32
      %mul3A_257 = arith.constant 512 : i32
      %mul3A_258 = arith.muli %add3A_256, %mul3A_257 : i32
      %add3A_259 = arith.addi %mul3A_16, %mul3A_258 : i32
      "tpu.region"() ({
        %run_scoped3A = tpu.sem_alloc : memref<!tpu.dma_semaphore, #tpu.memory_space<semaphore_mem>>
        %dma_start3A = tpu.memref_slice %arg7[%mul3A_255] : memref<81920xf32, #tpu.memory_space<vmem>> -> memref<512xf32, #tpu.memory_space<vmem>>
        %dma_start3A_260 = tpu.memref_slice %arg5[%add3A_259] : memref<17039360xf32, #tpu.memory_space<hbm>> -> memref<512xf32, #tpu.memory_space<hbm>>
        %dma_start3A_261 = tpu.memref_slice %arg5[%add3A_259] : memref<17039360xf32, #tpu.memory_space<hbm>> -> memref<512xf32, #tpu.memory_space<hbm>>
        %dma_start3A_262 = tpu.memref_slice %arg7[%mul3A_255] : memref<81920xf32, #tpu.memory_space<vmem>> -> memref<512xf32, #tpu.memory_space<vmem>>
        tpu.enqueue_dma source(%dma_start3A_262 : memref<512xf32, #tpu.memory_space<vmem>>) target(%dma_start3A_261 : memref<512xf32, #tpu.memory_space<hbm>>) target_semaphore(%run_scoped3A : memref<!tpu.dma_semaphore, #tpu.memory_space<semaphore_mem>>)
        %dma_wait3A = tpu.memref_slice %arg7[%mul3A_255] : memref<81920xf32, #tpu.memory_space<vmem>> -> memref<512xf32, #tpu.memory_space<vmem>>
        %dma_wait3A_263 = tpu.memref_slice %arg5[%add3A_259] : memref<17039360xf32, #tpu.memory_space<hbm>> -> memref<512xf32, #tpu.memory_space<hbm>>
        %dma_wait3A_264 = tpu.memref_slice %arg5[%add3A_259] : memref<17039360xf32, #tpu.memory_space<hbm>> -> memref<512xf32, #tpu.memory_space<hbm>>
        %dma_wait3A_265 = tpu.memref_slice %arg7[%mul3A_255] : memref<81920xf32, #tpu.memory_space<vmem>> -> memref<512xf32, #tpu.memory_space<vmem>>
        tpu.wait_dma2 semaphore(%run_scoped3A : memref<!tpu.dma_semaphore, #tpu.memory_space<semaphore_mem>>) src(%dma_wait3A_265 : memref<512xf32, #tpu.memory_space<vmem>>) dst(%dma_wait3A_264 : memref<512xf32, #tpu.memory_space<hbm>>)
        tpu.yield
      }) : () -> ()
    }
    %mul3A_167 = arith.constant 1 : i32
    %mul3A_168 = arith.muli %div3A_156, %mul3A_167 : i32
    %add3A_169 = arith.addi %add3A_151, %mul3A_168 : i32
    %mul3A_170 = arith.constant 1 : i32
    %mul3A_171 = arith.muli %div3A_156, %mul3A_170 : i32
    %sub3A_172 = arith.subi %sub3A_154, %mul3A_171 : i32
    %sub3A_173 = arith.constant 1040 : i32
    %sub3A_174 = arith.subi %sub3A_173, %min3A_9 : i32
    %div3A_175 = arith.constant 128 : i32
    %div3A_176 = arith.divsi %sub3A_174, %div3A_175 : i32
    %while3A_177 = arith.constant 0 : i32
    %while3A_178 = arith.constant 0 : i32
    %while3A_179 = arith.constant 0 : i32
    %while3A_180 = arith.subi %div3A_176, %while3A_179 : i32
    %while3A_181 = arith.addi %while3A_179, %while3A_180 : i32
    %while3A_182 = arith.constant 1 : i32
    %while3A_183 = arith.divsi %while3A_180, %while3A_182 : i32
    %while3A_184 = arith.muli %while3A_183, %while3A_182 : i32
    %while3A_185 = arith.addi %while3A_179, %while3A_184 : i32
    %while3A_186 = arith.constant 1 : i32
    scf.for %while3A_249 = %while3A_179 to %while3A_185 step %while3A_186  : i32 {
      %mul3A_250 = arith.constant 128 : i32
      %mul3A_251 = arith.muli %while3A_249, %mul3A_250 : i32
      %add3A_252 = arith.addi %while3A_178, %mul3A_251 : i32
      %add3A_253 = arith.addi %min3A_9, %add3A_252 : i32
      %mul3A_254 = arith.constant 512 : i32
      %mul3A_255 = arith.muli %add3A_253, %mul3A_254 : i32
      %add3A_256 = arith.addi %mul3A_16, %mul3A_255 : i32
      "tpu.region"() ({
        %run_scoped3A = tpu.sem_alloc : memref<!tpu.dma_semaphore, #tpu.memory_space<semaphore_mem>>
        %dma_start3A = arith.constant 16384 : i32
        %dma_start3A_257 = tpu.memref_slice %arg7[%dma_start3A] : memref<81920xf32, #tpu.memory_space<vmem>> -> memref<65536xf32, #tpu.memory_space<vmem>>
        %dma_start3A_258 = tpu.memref_slice %arg5[%add3A_256] : memref<17039360xf32, #tpu.memory_space<hbm>> -> memref<65536xf32, #tpu.memory_space<hbm>>
        %dma_start3A_259 = tpu.memref_slice %arg5[%add3A_256] : memref<17039360xf32, #tpu.memory_space<hbm>> -> memref<65536xf32, #tpu.memory_space<hbm>>
        %dma_start3A_260 = arith.constant 16384 : i32
        %dma_start3A_261 = tpu.memref_slice %arg7[%dma_start3A_260] : memref<81920xf32, #tpu.memory_space<vmem>> -> memref<65536xf32, #tpu.memory_space<vmem>>
        tpu.enqueue_dma source(%dma_start3A_261 : memref<65536xf32, #tpu.memory_space<vmem>>) target(%dma_start3A_259 : memref<65536xf32, #tpu.memory_space<hbm>>) target_semaphore(%run_scoped3A : memref<!tpu.dma_semaphore, #tpu.memory_space<semaphore_mem>>)
        %dma_wait3A = arith.constant 16384 : i32
        %dma_wait3A_262 = tpu.memref_slice %arg7[%dma_wait3A] : memref<81920xf32, #tpu.memory_space<vmem>> -> memref<65536xf32, #tpu.memory_space<vmem>>
        %dma_wait3A_263 = tpu.memref_slice %arg5[%add3A_256] : memref<17039360xf32, #tpu.memory_space<hbm>> -> memref<65536xf32, #tpu.memory_space<hbm>>
        %dma_wait3A_264 = tpu.memref_slice %arg5[%add3A_256] : memref<17039360xf32, #tpu.memory_space<hbm>> -> memref<65536xf32, #tpu.memory_space<hbm>>
        %dma_wait3A_265 = arith.constant 16384 : i32
        %dma_wait3A_266 = tpu.memref_slice %arg7[%dma_wait3A_265] : memref<81920xf32, #tpu.memory_space<vmem>> -> memref<65536xf32, #tpu.memory_space<vmem>>
        tpu.wait_dma2 semaphore(%run_scoped3A : memref<!tpu.dma_semaphore, #tpu.memory_space<semaphore_mem>>) src(%dma_wait3A_266 : memref<65536xf32, #tpu.memory_space<vmem>>) dst(%dma_wait3A_264 : memref<65536xf32, #tpu.memory_space<hbm>>)
        tpu.yield
      }) : () -> ()
    }
    %while3A_187 = arith.constant 1 : i32
    scf.for %while3A_249 = %while3A_185 to %while3A_181 step %while3A_187  : i32 {
      %mul3A_250 = arith.constant 128 : i32
      %mul3A_251 = arith.muli %while3A_249, %mul3A_250 : i32
      %add3A_252 = arith.addi %while3A_178, %mul3A_251 : i32
      %add3A_253 = arith.addi %min3A_9, %add3A_252 : i32
      %mul3A_254 = arith.constant 512 : i32
      %mul3A_255 = arith.muli %add3A_253, %mul3A_254 : i32
      %add3A_256 = arith.addi %mul3A_16, %mul3A_255 : i32
      "tpu.region"() ({
        %run_scoped3A = tpu.sem_alloc : memref<!tpu.dma_semaphore, #tpu.memory_space<semaphore_mem>>
        %dma_start3A = arith.constant 16384 : i32
        %dma_start3A_257 = tpu.memref_slice %arg7[%dma_start3A] : memref<81920xf32, #tpu.memory_space<vmem>> -> memref<65536xf32, #tpu.memory_space<vmem>>
        %dma_start3A_258 = tpu.memref_slice %arg5[%add3A_256] : memref<17039360xf32, #tpu.memory_space<hbm>> -> memref<65536xf32, #tpu.memory_space<hbm>>
        %dma_start3A_259 = tpu.memref_slice %arg5[%add3A_256] : memref<17039360xf32, #tpu.memory_space<hbm>> -> memref<65536xf32, #tpu.memory_space<hbm>>
        %dma_start3A_260 = arith.constant 16384 : i32
        %dma_start3A_261 = tpu.memref_slice %arg7[%dma_start3A_260] : memref<81920xf32, #tpu.memory_space<vmem>> -> memref<65536xf32, #tpu.memory_space<vmem>>
        tpu.enqueue_dma source(%dma_start3A_261 : memref<65536xf32, #tpu.memory_space<vmem>>) target(%dma_start3A_259 : memref<65536xf32, #tpu.memory_space<hbm>>) target_semaphore(%run_scoped3A : memref<!tpu.dma_semaphore, #tpu.memory_space<semaphore_mem>>)
        %dma_wait3A = arith.constant 16384 : i32
        %dma_wait3A_262 = tpu.memref_slice %arg7[%dma_wait3A] : memref<81920xf32, #tpu.memory_space<vmem>> -> memref<65536xf32, #tpu.memory_space<vmem>>
        %dma_wait3A_263 = tpu.memref_slice %arg5[%add3A_256] : memref<17039360xf32, #tpu.memory_space<hbm>> -> memref<65536xf32, #tpu.memory_space<hbm>>
        %dma_wait3A_264 = tpu.memref_slice %arg5[%add3A_256] : memref<17039360xf32, #tpu.memory_space<hbm>> -> memref<65536xf32, #tpu.memory_space<hbm>>
        %dma_wait3A_265 = arith.constant 16384 : i32
        %dma_wait3A_266 = tpu.memref_slice %arg7[%dma_wait3A_265] : memref<81920xf32, #tpu.memory_space<vmem>> -> memref<65536xf32, #tpu.memory_space<vmem>>
        tpu.wait_dma2 semaphore(%run_scoped3A : memref<!tpu.dma_semaphore, #tpu.memory_space<semaphore_mem>>) src(%dma_wait3A_266 : memref<65536xf32, #tpu.memory_space<vmem>>) dst(%dma_wait3A_264 : memref<65536xf32, #tpu.memory_space<hbm>>)
        tpu.yield
      }) : () -> ()
    }
    %mul3A_188 = arith.constant 128 : i32
    %mul3A_189 = arith.muli %div3A_176, %mul3A_188 : i32
    %add3A_190 = arith.constant 0 : i32
    %add3A_191 = arith.addi %add3A_190, %mul3A_189 : i32
    %mul3A_192 = arith.constant 128 : i32
    %mul3A_193 = arith.muli %div3A_176, %mul3A_192 : i32
    %sub3A_194 = arith.subi %sub3A_174, %mul3A_193 : i32
    %div3A_195 = arith.constant 16 : i32
    %div3A_196 = arith.divsi %sub3A_194, %div3A_195 : i32
    %while3A_197 = arith.constant 0 : i32
    %while3A_198 = arith.constant 0 : i32
    %while3A_199 = arith.subi %div3A_196, %while3A_198 : i32
    %while3A_200 = arith.addi %while3A_198, %while3A_199 : i32
    %while3A_201 = arith.constant 1 : i32
    %while3A_202 = arith.divsi %while3A_199, %while3A_201 : i32
    %while3A_203 = arith.muli %while3A_202, %while3A_201 : i32
    %while3A_204 = arith.addi %while3A_198, %while3A_203 : i32
    %while3A_205 = arith.constant 1 : i32
    scf.for %while3A_249 = %while3A_198 to %while3A_204 step %while3A_205  : i32 {
      %mul3A_250 = arith.constant 16 : i32
      %mul3A_251 = arith.muli %while3A_249, %mul3A_250 : i32
      %add3A_252 = arith.addi %add3A_191, %mul3A_251 : i32
      %add3A_253 = arith.addi %min3A_9, %add3A_252 : i32
      %mul3A_254 = arith.constant 512 : i32
      %mul3A_255 = arith.muli %add3A_253, %mul3A_254 : i32
      %add3A_256 = arith.addi %mul3A_16, %mul3A_255 : i32
      "tpu.region"() ({
        %run_scoped3A = tpu.sem_alloc : memref<!tpu.dma_semaphore, #tpu.memory_space<semaphore_mem>>
        %dma_start3A = arith.constant 16384 : i32
        %dma_start3A_257 = tpu.memref_slice %arg7[%dma_start3A] : memref<81920xf32, #tpu.memory_space<vmem>> -> memref<8192xf32, #tpu.memory_space<vmem>>
        %dma_start3A_258 = tpu.memref_slice %arg5[%add3A_256] : memref<17039360xf32, #tpu.memory_space<hbm>> -> memref<8192xf32, #tpu.memory_space<hbm>>
        %dma_start3A_259 = tpu.memref_slice %arg5[%add3A_256] : memref<17039360xf32, #tpu.memory_space<hbm>> -> memref<8192xf32, #tpu.memory_space<hbm>>
        %dma_start3A_260 = arith.constant 16384 : i32
        %dma_start3A_261 = tpu.memref_slice %arg7[%dma_start3A_260] : memref<81920xf32, #tpu.memory_space<vmem>> -> memref<8192xf32, #tpu.memory_space<vmem>>
        tpu.enqueue_dma source(%dma_start3A_261 : memref<8192xf32, #tpu.memory_space<vmem>>) target(%dma_start3A_259 : memref<8192xf32, #tpu.memory_space<hbm>>) target_semaphore(%run_scoped3A : memref<!tpu.dma_semaphore, #tpu.memory_space<semaphore_mem>>)
        %dma_wait3A = arith.constant 16384 : i32
        %dma_wait3A_262 = tpu.memref_slice %arg7[%dma_wait3A] : memref<81920xf32, #tpu.memory_space<vmem>> -> memref<8192xf32, #tpu.memory_space<vmem>>
        %dma_wait3A_263 = tpu.memref_slice %arg5[%add3A_256] : memref<17039360xf32, #tpu.memory_space<hbm>> -> memref<8192xf32, #tpu.memory_space<hbm>>
        %dma_wait3A_264 = tpu.memref_slice %arg5[%add3A_256] : memref<17039360xf32, #tpu.memory_space<hbm>> -> memref<8192xf32, #tpu.memory_space<hbm>>
        %dma_wait3A_265 = arith.constant 16384 : i32
        %dma_wait3A_266 = tpu.memref_slice %arg7[%dma_wait3A_265] : memref<81920xf32, #tpu.memory_space<vmem>> -> memref<8192xf32, #tpu.memory_space<vmem>>
        tpu.wait_dma2 semaphore(%run_scoped3A : memref<!tpu.dma_semaphore, #tpu.memory_space<semaphore_mem>>) src(%dma_wait3A_266 : memref<8192xf32, #tpu.memory_space<vmem>>) dst(%dma_wait3A_264 : memref<8192xf32, #tpu.memory_space<hbm>>)
        tpu.yield
      }) : () -> ()
    }
    %while3A_206 = arith.constant 1 : i32
    scf.for %while3A_249 = %while3A_204 to %while3A_200 step %while3A_206  : i32 {
      %mul3A_250 = arith.constant 16 : i32
      %mul3A_251 = arith.muli %while3A_249, %mul3A_250 : i32
      %add3A_252 = arith.addi %add3A_191, %mul3A_251 : i32
      %add3A_253 = arith.addi %min3A_9, %add3A_252 : i32
      %mul3A_254 = arith.constant 512 : i32
      %mul3A_255 = arith.muli %add3A_253, %mul3A_254 : i32
      %add3A_256 = arith.addi %mul3A_16, %mul3A_255 : i32
      "tpu.region"() ({
        %run_scoped3A = tpu.sem_alloc : memref<!tpu.dma_semaphore, #tpu.memory_space<semaphore_mem>>
        %dma_start3A = arith.constant 16384 : i32
        %dma_start3A_257 = tpu.memref_slice %arg7[%dma_start3A] : memref<81920xf32, #tpu.memory_space<vmem>> -> memref<8192xf32, #tpu.memory_space<vmem>>
        %dma_start3A_258 = tpu.memref_slice %arg5[%add3A_256] : memref<17039360xf32, #tpu.memory_space<hbm>> -> memref<8192xf32, #tpu.memory_space<hbm>>
        %dma_start3A_259 = tpu.memref_slice %arg5[%add3A_256] : memref<17039360xf32, #tpu.memory_space<hbm>> -> memref<8192xf32, #tpu.memory_space<hbm>>
        %dma_start3A_260 = arith.constant 16384 : i32
        %dma_start3A_261 = tpu.memref_slice %arg7[%dma_start3A_260] : memref<81920xf32, #tpu.memory_space<vmem>> -> memref<8192xf32, #tpu.memory_space<vmem>>
        tpu.enqueue_dma source(%dma_start3A_261 : memref<8192xf32, #tpu.memory_space<vmem>>) target(%dma_start3A_259 : memref<8192xf32, #tpu.memory_space<hbm>>) target_semaphore(%run_scoped3A : memref<!tpu.dma_semaphore, #tpu.memory_space<semaphore_mem>>)
        %dma_wait3A = arith.constant 16384 : i32
        %dma_wait3A_262 = tpu.memref_slice %arg7[%dma_wait3A] : memref<81920xf32, #tpu.memory_space<vmem>> -> memref<8192xf32, #tpu.memory_space<vmem>>
        %dma_wait3A_263 = tpu.memref_slice %arg5[%add3A_256] : memref<17039360xf32, #tpu.memory_space<hbm>> -> memref<8192xf32, #tpu.memory_space<hbm>>
        %dma_wait3A_264 = tpu.memref_slice %arg5[%add3A_256] : memref<17039360xf32, #tpu.memory_space<hbm>> -> memref<8192xf32, #tpu.memory_space<hbm>>
        %dma_wait3A_265 = arith.constant 16384 : i32
        %dma_wait3A_266 = tpu.memref_slice %arg7[%dma_wait3A_265] : memref<81920xf32, #tpu.memory_space<vmem>> -> memref<8192xf32, #tpu.memory_space<vmem>>
        tpu.wait_dma2 semaphore(%run_scoped3A : memref<!tpu.dma_semaphore, #tpu.memory_space<semaphore_mem>>) src(%dma_wait3A_266 : memref<8192xf32, #tpu.memory_space<vmem>>) dst(%dma_wait3A_264 : memref<8192xf32, #tpu.memory_space<hbm>>)
        tpu.yield
      }) : () -> ()
    }
    %mul3A_207 = arith.constant 16 : i32
    %mul3A_208 = arith.muli %div3A_196, %mul3A_207 : i32
    %add3A_209 = arith.addi %add3A_191, %mul3A_208 : i32
    %mul3A_210 = arith.constant 16 : i32
    %mul3A_211 = arith.muli %div3A_196, %mul3A_210 : i32
    %sub3A_212 = arith.subi %sub3A_194, %mul3A_211 : i32
    %div3A_213 = arith.constant 2 : i32
    %div3A_214 = arith.divsi %sub3A_212, %div3A_213 : i32
    %while3A_215 = arith.constant 0 : i32
    %while3A_216 = arith.constant 0 : i32
    %while3A_217 = arith.subi %div3A_214, %while3A_216 : i32
    %while3A_218 = arith.addi %while3A_216, %while3A_217 : i32
    %while3A_219 = arith.constant 1 : i32
    %while3A_220 = arith.divsi %while3A_217, %while3A_219 : i32
    %while3A_221 = arith.muli %while3A_220, %while3A_219 : i32
    %while3A_222 = arith.addi %while3A_216, %while3A_221 : i32
    %while3A_223 = arith.constant 1 : i32
    scf.for %while3A_249 = %while3A_216 to %while3A_222 step %while3A_223  : i32 {
      %mul3A_250 = arith.constant 2 : i32
      %mul3A_251 = arith.muli %while3A_249, %mul3A_250 : i32
      %add3A_252 = arith.addi %add3A_209, %mul3A_251 : i32
      %add3A_253 = arith.addi %min3A_9, %add3A_252 : i32
      %mul3A_254 = arith.constant 512 : i32
      %mul3A_255 = arith.muli %add3A_253, %mul3A_254 : i32
      %add3A_256 = arith.addi %mul3A_16, %mul3A_255 : i32
      "tpu.region"() ({
        %run_scoped3A = tpu.sem_alloc : memref<!tpu.dma_semaphore, #tpu.memory_space<semaphore_mem>>
        %dma_start3A = arith.constant 16384 : i32
        %dma_start3A_257 = tpu.memref_slice %arg7[%dma_start3A] : memref<81920xf32, #tpu.memory_space<vmem>> -> memref<1024xf32, #tpu.memory_space<vmem>>
        %dma_start3A_258 = tpu.memref_slice %arg5[%add3A_256] : memref<17039360xf32, #tpu.memory_space<hbm>> -> memref<1024xf32, #tpu.memory_space<hbm>>
        %dma_start3A_259 = tpu.memref_slice %arg5[%add3A_256] : memref<17039360xf32, #tpu.memory_space<hbm>> -> memref<1024xf32, #tpu.memory_space<hbm>>
        %dma_start3A_260 = arith.constant 16384 : i32
        %dma_start3A_261 = tpu.memref_slice %arg7[%dma_start3A_260] : memref<81920xf32, #tpu.memory_space<vmem>> -> memref<1024xf32, #tpu.memory_space<vmem>>
        tpu.enqueue_dma source(%dma_start3A_261 : memref<1024xf32, #tpu.memory_space<vmem>>) target(%dma_start3A_259 : memref<1024xf32, #tpu.memory_space<hbm>>) target_semaphore(%run_scoped3A : memref<!tpu.dma_semaphore, #tpu.memory_space<semaphore_mem>>)
        %dma_wait3A = arith.constant 16384 : i32
        %dma_wait3A_262 = tpu.memref_slice %arg7[%dma_wait3A] : memref<81920xf32, #tpu.memory_space<vmem>> -> memref<1024xf32, #tpu.memory_space<vmem>>
        %dma_wait3A_263 = tpu.memref_slice %arg5[%add3A_256] : memref<17039360xf32, #tpu.memory_space<hbm>> -> memref<1024xf32, #tpu.memory_space<hbm>>
        %dma_wait3A_264 = tpu.memref_slice %arg5[%add3A_256] : memref<17039360xf32, #tpu.memory_space<hbm>> -> memref<1024xf32, #tpu.memory_space<hbm>>
        %dma_wait3A_265 = arith.constant 16384 : i32
        %dma_wait3A_266 = tpu.memref_slice %arg7[%dma_wait3A_265] : memref<81920xf32, #tpu.memory_space<vmem>> -> memref<1024xf32, #tpu.memory_space<vmem>>
        tpu.wait_dma2 semaphore(%run_scoped3A : memref<!tpu.dma_semaphore, #tpu.memory_space<semaphore_mem>>) src(%dma_wait3A_266 : memref<1024xf32, #tpu.memory_space<vmem>>) dst(%dma_wait3A_264 : memref<1024xf32, #tpu.memory_space<hbm>>)
        tpu.yield
      }) : () -> ()
    }
    %while3A_224 = arith.constant 1 : i32
    scf.for %while3A_249 = %while3A_222 to %while3A_218 step %while3A_224  : i32 {
      %mul3A_250 = arith.constant 2 : i32
      %mul3A_251 = arith.muli %while3A_249, %mul3A_250 : i32
      %add3A_252 = arith.addi %add3A_209, %mul3A_251 : i32
      %add3A_253 = arith.addi %min3A_9, %add3A_252 : i32
      %mul3A_254 = arith.constant 512 : i32
      %mul3A_255 = arith.muli %add3A_253, %mul3A_254 : i32
      %add3A_256 = arith.addi %mul3A_16, %mul3A_255 : i32
      "tpu.region"() ({
        %run_scoped3A = tpu.sem_alloc : memref<!tpu.dma_semaphore, #tpu.memory_space<semaphore_mem>>
        %dma_start3A = arith.constant 16384 : i32
        %dma_start3A_257 = tpu.memref_slice %arg7[%dma_start3A] : memref<81920xf32, #tpu.memory_space<vmem>> -> memref<1024xf32, #tpu.memory_space<vmem>>
        %dma_start3A_258 = tpu.memref_slice %arg5[%add3A_256] : memref<17039360xf32, #tpu.memory_space<hbm>> -> memref<1024xf32, #tpu.memory_space<hbm>>
        %dma_start3A_259 = tpu.memref_slice %arg5[%add3A_256] : memref<17039360xf32, #tpu.memory_space<hbm>> -> memref<1024xf32, #tpu.memory_space<hbm>>
        %dma_start3A_260 = arith.constant 16384 : i32
        %dma_start3A_261 = tpu.memref_slice %arg7[%dma_start3A_260] : memref<81920xf32, #tpu.memory_space<vmem>> -> memref<1024xf32, #tpu.memory_space<vmem>>
        tpu.enqueue_dma source(%dma_start3A_261 : memref<1024xf32, #tpu.memory_space<vmem>>) target(%dma_start3A_259 : memref<1024xf32, #tpu.memory_space<hbm>>) target_semaphore(%run_scoped3A : memref<!tpu.dma_semaphore, #tpu.memory_space<semaphore_mem>>)
        %dma_wait3A = arith.constant 16384 : i32
        %dma_wait3A_262 = tpu.memref_slice %arg7[%dma_wait3A] : memref<81920xf32, #tpu.memory_space<vmem>> -> memref<1024xf32, #tpu.memory_space<vmem>>
        %dma_wait3A_263 = tpu.memref_slice %arg5[%add3A_256] : memref<17039360xf32, #tpu.memory_space<hbm>> -> memref<1024xf32, #tpu.memory_space<hbm>>
        %dma_wait3A_264 = tpu.memref_slice %arg5[%add3A_256] : memref<17039360xf32, #tpu.memory_space<hbm>> -> memref<1024xf32, #tpu.memory_space<hbm>>
        %dma_wait3A_265 = arith.constant 16384 : i32
        %dma_wait3A_266 = tpu.memref_slice %arg7[%dma_wait3A_265] : memref<81920xf32, #tpu.memory_space<vmem>> -> memref<1024xf32, #tpu.memory_space<vmem>>
        tpu.wait_dma2 semaphore(%run_scoped3A : memref<!tpu.dma_semaphore, #tpu.memory_space<semaphore_mem>>) src(%dma_wait3A_266 : memref<1024xf32, #tpu.memory_space<vmem>>) dst(%dma_wait3A_264 : memref<1024xf32, #tpu.memory_space<hbm>>)
        tpu.yield
      }) : () -> ()
    }
    %mul3A_225 = arith.constant 2 : i32
    %mul3A_226 = arith.muli %div3A_214, %mul3A_225 : i32
    %add3A_227 = arith.addi %add3A_209, %mul3A_226 : i32
    %mul3A_228 = arith.constant 2 : i32
    %mul3A_229 = arith.muli %div3A_214, %mul3A_228 : i32
    %sub3A_230 = arith.subi %sub3A_212, %mul3A_229 : i32
    %div3A_231 = arith.constant 1 : i32
    %div3A_232 = arith.divsi %sub3A_230, %div3A_231 : i32
    %while3A_233 = arith.constant 0 : i32
    %while3A_234 = arith.constant 0 : i32
    %while3A_235 = arith.subi %div3A_232, %while3A_234 : i32
    %while3A_236 = arith.addi %while3A_234, %while3A_235 : i32
    %while3A_237 = arith.constant 1 : i32
    %while3A_238 = arith.divsi %while3A_235, %while3A_237 : i32
    %while3A_239 = arith.muli %while3A_238, %while3A_237 : i32
    %while3A_240 = arith.addi %while3A_234, %while3A_239 : i32
    %while3A_241 = arith.constant 1 : i32
    scf.for %while3A_249 = %while3A_234 to %while3A_240 step %while3A_241  : i32 {
      %mul3A_250 = arith.constant 1 : i32
      %mul3A_251 = arith.muli %while3A_249, %mul3A_250 : i32
      %add3A_252 = arith.addi %add3A_227, %mul3A_251 : i32
      %add3A_253 = arith.addi %min3A_9, %add3A_252 : i32
      %mul3A_254 = arith.constant 512 : i32
      %mul3A_255 = arith.muli %add3A_253, %mul3A_254 : i32
      %add3A_256 = arith.addi %mul3A_16, %mul3A_255 : i32
      "tpu.region"() ({
        %run_scoped3A = tpu.sem_alloc : memref<!tpu.dma_semaphore, #tpu.memory_space<semaphore_mem>>
        %dma_start3A = arith.constant 16384 : i32
        %dma_start3A_257 = tpu.memref_slice %arg7[%dma_start3A] : memref<81920xf32, #tpu.memory_space<vmem>> -> memref<512xf32, #tpu.memory_space<vmem>>
        %dma_start3A_258 = tpu.memref_slice %arg5[%add3A_256] : memref<17039360xf32, #tpu.memory_space<hbm>> -> memref<512xf32, #tpu.memory_space<hbm>>
        %dma_start3A_259 = tpu.memref_slice %arg5[%add3A_256] : memref<17039360xf32, #tpu.memory_space<hbm>> -> memref<512xf32, #tpu.memory_space<hbm>>
        %dma_start3A_260 = arith.constant 16384 : i32
        %dma_start3A_261 = tpu.memref_slice %arg7[%dma_start3A_260] : memref<81920xf32, #tpu.memory_space<vmem>> -> memref<512xf32, #tpu.memory_space<vmem>>
        tpu.enqueue_dma source(%dma_start3A_261 : memref<512xf32, #tpu.memory_space<vmem>>) target(%dma_start3A_259 : memref<512xf32, #tpu.memory_space<hbm>>) target_semaphore(%run_scoped3A : memref<!tpu.dma_semaphore, #tpu.memory_space<semaphore_mem>>)
        %dma_wait3A = arith.constant 16384 : i32
        %dma_wait3A_262 = tpu.memref_slice %arg7[%dma_wait3A] : memref<81920xf32, #tpu.memory_space<vmem>> -> memref<512xf32, #tpu.memory_space<vmem>>
        %dma_wait3A_263 = tpu.memref_slice %arg5[%add3A_256] : memref<17039360xf32, #tpu.memory_space<hbm>> -> memref<512xf32, #tpu.memory_space<hbm>>
        %dma_wait3A_264 = tpu.memref_slice %arg5[%add3A_256] : memref<17039360xf32, #tpu.memory_space<hbm>> -> memref<512xf32, #tpu.memory_space<hbm>>
        %dma_wait3A_265 = arith.constant 16384 : i32
        %dma_wait3A_266 = tpu.memref_slice %arg7[%dma_wait3A_265] : memref<81920xf32, #tpu.memory_space<vmem>> -> memref<512xf32, #tpu.memory_space<vmem>>
        tpu.wait_dma2 semaphore(%run_scoped3A : memref<!tpu.dma_semaphore, #tpu.memory_space<semaphore_mem>>) src(%dma_wait3A_266 : memref<512xf32, #tpu.memory_space<vmem>>) dst(%dma_wait3A_264 : memref<512xf32, #tpu.memory_space<hbm>>)
        tpu.yield
      }) : () -> ()
    }
    %while3A_242 = arith.constant 1 : i32
    scf.for %while3A_249 = %while3A_240 to %while3A_236 step %while3A_242  : i32 {
      %mul3A_250 = arith.constant 1 : i32
      %mul3A_251 = arith.muli %while3A_249, %mul3A_250 : i32
      %add3A_252 = arith.addi %add3A_227, %mul3A_251 : i32
      %add3A_253 = arith.addi %min3A_9, %add3A_252 : i32
      %mul3A_254 = arith.constant 512 : i32
      %mul3A_255 = arith.muli %add3A_253, %mul3A_254 : i32
      %add3A_256 = arith.addi %mul3A_16, %mul3A_255 : i32
      "tpu.region"() ({
        %run_scoped3A = tpu.sem_alloc : memref<!tpu.dma_semaphore, #tpu.memory_space<semaphore_mem>>
        %dma_start3A = arith.constant 16384 : i32
        %dma_start3A_257 = tpu.memref_slice %arg7[%dma_start3A] : memref<81920xf32, #tpu.memory_space<vmem>> -> memref<512xf32, #tpu.memory_space<vmem>>
        %dma_start3A_258 = tpu.memref_slice %arg5[%add3A_256] : memref<17039360xf32, #tpu.memory_space<hbm>> -> memref<512xf32, #tpu.memory_space<hbm>>
        %dma_start3A_259 = tpu.memref_slice %arg5[%add3A_256] : memref<17039360xf32, #tpu.memory_space<hbm>> -> memref<512xf32, #tpu.memory_space<hbm>>
        %dma_start3A_260 = arith.constant 16384 : i32
        %dma_start3A_261 = tpu.memref_slice %arg7[%dma_start3A_260] : memref<81920xf32, #tpu.memory_space<vmem>> -> memref<512xf32, #tpu.memory_space<vmem>>
        tpu.enqueue_dma source(%dma_start3A_261 : memref<512xf32, #tpu.memory_space<vmem>>) target(%dma_start3A_259 : memref<512xf32, #tpu.memory_space<hbm>>) target_semaphore(%run_scoped3A : memref<!tpu.dma_semaphore, #tpu.memory_space<semaphore_mem>>)
        %dma_wait3A = arith.constant 16384 : i32
        %dma_wait3A_262 = tpu.memref_slice %arg7[%dma_wait3A] : memref<81920xf32, #tpu.memory_space<vmem>> -> memref<512xf32, #tpu.memory_space<vmem>>
        %dma_wait3A_263 = tpu.memref_slice %arg5[%add3A_256] : memref<17039360xf32, #tpu.memory_space<hbm>> -> memref<512xf32, #tpu.memory_space<hbm>>
        %dma_wait3A_264 = tpu.memref_slice %arg5[%add3A_256] : memref<17039360xf32, #tpu.memory_space<hbm>> -> memref<512xf32, #tpu.memory_space<hbm>>
        %dma_wait3A_265 = arith.constant 16384 : i32
        %dma_wait3A_266 = tpu.memref_slice %arg7[%dma_wait3A_265] : memref<81920xf32, #tpu.memory_space<vmem>> -> memref<512xf32, #tpu.memory_space<vmem>>
        tpu.wait_dma2 semaphore(%run_scoped3A : memref<!tpu.dma_semaphore, #tpu.memory_space<semaphore_mem>>) src(%dma_wait3A_266 : memref<512xf32, #tpu.memory_space<vmem>>) dst(%dma_wait3A_264 : memref<512xf32, #tpu.memory_space<hbm>>)
        tpu.yield
      }) : () -> ()
    }
    %mul3A_243 = arith.constant 1 : i32
    %mul3A_244 = arith.muli %div3A_232, %mul3A_243 : i32
    %add3A_245 = arith.addi %add3A_227, %mul3A_244 : i32
    %mul3A_246 = arith.constant 1 : i32
    %mul3A_247 = arith.muli %div3A_232, %mul3A_246 : i32
    %sub3A_248 = arith.subi %sub3A_230, %mul3A_247 : i32
    return
  }
}

module attributes {stable_mosaic.version = 14 : i64} {
  func.func @_virt_body(%arg0: memref<32x512xf32, #tpu.memory_space<vmem>>, %arg1: memref<512x512xf32, #tpu.memory_space<vmem>>, %arg2: memref<1x512xf32, #tpu.memory_space<vmem>>, %arg3: memref<512x512xf32, #tpu.memory_space<vmem>>, %arg4: memref<1x512xf32, #tpu.memory_space<vmem>>, %arg5: memref<160x512xf32, #tpu.memory_space<vmem>>) attributes {dimension_semantics = [], scalar_prefetch = 0 : i64, scratch_operands = 0 : i64, tpu.core_type = #tpu.core_type<tc>} {
    %get3A = arith.constant 0 : index
    %get3A_0 = arith.constant 0 : index
    %get3A_1 = vector.load %arg0[%get3A, %get3A_0] : memref<32x512xf32, #tpu.memory_space<vmem>>, vector<32x512xf32>
    %get3A_2 = arith.constant 0 : index
    %get3A_3 = arith.constant 0 : index
    %get3A_4 = vector.load %arg1[%get3A_2, %get3A_3] : memref<512x512xf32, #tpu.memory_space<vmem>>, vector<512x512xf32>
    %dot_general3A = arith.constant dense<0.000000e+00> : vector<32x512xf32>
    %dot_general3A_5 = tpu.matmul %get3A_1, %get3A_4, %dot_general3A {dimension_numbers = #tpu.dot_dimension_numbers<[1], [0], [0], [1], [0, 0, 1, 1], [], []>, transpose_lhs_hint = false} : vector<32x512xf32>, vector<512x512xf32>, vector<32x512xf32> -> vector<32x512xf32>
    %get3A_6 = arith.constant 0 : index
    %get3A_7 = arith.constant 0 : index
    %get3A_8 = vector.load %arg2[%get3A_6, %get3A_7] : memref<1x512xf32, #tpu.memory_space<vmem>>, vector<1x512xf32>
    %add3A = vector.broadcast %get3A_8 : vector<1x512xf32> to vector<32x512xf32>
    %add3A_9 = arith.addf %dot_general3A_5, %add3A : vector<32x512xf32>
    %tanh3A = math.tanh %add3A_9 : vector<32x512xf32>
    %get3A_10 = arith.constant 0 : index
    %get3A_11 = arith.constant 0 : index
    %get3A_12 = vector.load %arg3[%get3A_10, %get3A_11] : memref<512x512xf32, #tpu.memory_space<vmem>>, vector<512x512xf32>
    %dot_general3A_13 = arith.constant dense<0.000000e+00> : vector<32x512xf32>
    %dot_general3A_14 = tpu.matmul %tanh3A, %get3A_12, %dot_general3A_13 {dimension_numbers = #tpu.dot_dimension_numbers<[1], [0], [0], [1], [0, 0, 1, 1], [], []>, transpose_lhs_hint = false} : vector<32x512xf32>, vector<512x512xf32>, vector<32x512xf32> -> vector<32x512xf32>
    %get3A_15 = arith.constant 0 : index
    %get3A_16 = arith.constant 0 : index
    %get3A_17 = vector.load %arg4[%get3A_15, %get3A_16] : memref<1x512xf32, #tpu.memory_space<vmem>>, vector<1x512xf32>
    %add3A_18 = vector.broadcast %get3A_17 : vector<1x512xf32> to vector<32x512xf32>
    %add3A_19 = arith.addf %dot_general3A_14, %add3A_18 : vector<32x512xf32>
    %swap3A = arith.constant 0 : index
    %swap3A_20 = arith.constant 0 : index
    %swap3A_21 = vector.load %arg5[%swap3A, %swap3A_20] : memref<160x512xf32, #tpu.memory_space<vmem>>, vector<32x512xf32>
    tpu.vector_store %arg5[%swap3A, %swap3A_20], %add3A_19 {strides = array<i32>} : memref<160x512xf32, #tpu.memory_space<vmem>>, vector<32x512xf32>,
    %broadcast_in_dim3A = arith.constant 0.000000e+00 : f32
    %broadcast_in_dim3A_22 = vector.broadcast %broadcast_in_dim3A : f32 to vector<128x512xf32>
    %swap3A_23 = arith.constant 32 : index
    %swap3A_24 = arith.constant 0 : index
    %swap3A_25 = vector.load %arg5[%swap3A_23, %swap3A_24] : memref<160x512xf32, #tpu.memory_space<vmem>>, vector<128x512xf32>
    tpu.vector_store %arg5[%swap3A_23, %swap3A_24], %broadcast_in_dim3A_22 {strides = array<i32>} : memref<160x512xf32, #tpu.memory_space<vmem>>, vector<128x512xf32>,
    return
  }
}

</mosaic_0001>

<sc_bundles>
// kernel: kernel.4.cloned.1.call-start
scs
__scs_entry_jumppad:
0x0: {  	(pc) =	sbr.rel $0x88, $3  }
0x1: {  	(tag) =	ssettag $0x0;
	lr =	simm.s32 $0x1  }
0x2: {  	[smem:$0x3F9A] =	sst lr;
	_ =	strace $0xD0000000  }
0x3: {  	_ = 	snop  }
0x4: {  	_ = 	snop  }
0x5: {  	_ = 	snop  }
0x6: {  	_ = 	snop  }
0x7: {  	_ = 	snop  }
__scs_overlays_trampoline_lowered:
0x8: {  	[smem:$0x3FA9] =	sst s0  }
0x9: {  	[smem:$0x3FAA] =	sst s1  }
0xa: {  	[smem:$0x3FAB] =	sst s2  }
0xb: {  	[smem:$0x3FAC] =	sst s3  }
0xc: {  	[smem:$0x3FAD] =	sst s4  }
0xd: {  	[smem:$0x3FAE] =	sst s5  }
0xe: {  	[smem:$0x3FAF] =	sst s6  }
0xf: {  	[smem:$0x3FB0] =	sst s7  }
0x10: {  	[smem:$0x3FB1] =	sst s8  }
0x11: {  	[smem:$0x3FB2] =	sst s9;
	s0 =	simm.s32 @!p0 $0x0  }
0x12: {  	s1 =	sld [smem:$0x3F98];
	s0 =	simm.s32 @p0 $0x1  }
0x13: {  	[smem:$0x3FB3] =	sst s0;
	s0 =	simm.s32 @!p1 $0x0  }
0x14: {  	s2 =	sld [smem:$0x3F97];
	s0 =	simm.s32 @p1 $0x1  }
0x15: {  	[smem:$0x3FB4] =	sst s0;
	s0 =	simm.s32 @!p2 $0x0  }
0x16: {  	s3 =	sld [smem:$0x3FDB];
	s0 =	simm.s32 @p2 $0x1  }
0x17: {  	s4 =	simm.s32 $0x1BF5;
	[smem:$0x3FB6] =	sst s0  }
0x18: {  	s0 =	sld [smem:$0x3F99];
	_ =	swait.ge [sflag:s4], $0x0  }
0x19: {  	s7 =	sld [smem:$0x3F9A]  }
0x1a: {  	s8 =	sadd.s32 $0xFFFFE003, lr  }
0x1b: {  	s9 =	sadd.s32 $0xFFFFFEF7, lr;
	s5 =	simm.s32 $0xFFFFFFFF;
	p2 =	slt.u32 s8, $0xFFFFF086  }
0x1c: {  	p1 =	slt.u32 s9, $0xF7A;
	s5 =	simm.s32 @!p2 $0x0  }
0x1d: {  	s5 =	simm.s32 @p1 $0x1;
	p0 =	seq.s32 s7, s2  }
0x1e: {  	s7 =	smul.u32 @!p0 $0xF7A, s2;
	p2 =	seq.s32 @!p0 s5, $0x0  }
0x1f: {  	s9 =	smul.u32 $0xF7A, s1;
	s8 =	simm.s32 @!p0 $0x1BF5;
	p2 =	por !p2, p0  }
0x20: {  	[sflag:s8] =	ssyncset.s32 @!p0 $0xFFFFF086;
	s6 =	sadd.s32 @!p0 s3, s7;
	s7 =	simm.s32 @!p0 $0x108  }
0x21: {  	s3 =	sadd.s32 s3, s9;
	s6 =	sadd.s32 @!p0 $0x88, s6;
	s7 =	simm.s32 @p2 $0x1082  }
0x22: {  	[simem:s7], [sflag:s8] =	dma.local @!p0 [hbm:s6], $0xF7A  }
0x23: {  	s9 =	sor.u32 $0xD0000000, s2;
	s6 =	simm.s32 $0x108;
	_ =	swait.ge @!p0 [sflag:s8], $0x0  }
0x24: {  	s3 =	sadd.s32 $0x88, s3;
	s6 =	simm.s32 @!p1 $0x1082;
	[sflag:s4] =	ssyncset.s32 $0xFFFFF086  }
0x25: {  	[simem:s6], [sflag:s4] =	dma.local [hbm:s3], $0xF7A  }
0x26: {  	[smem:$0x3F9A] =	sst s1;
	(tag) =	ssettag s2;
	_ =	strace s9  }
0x27: {  	s1 =	sld [smem:$0x3FAA]  }
0x28: {  	s2 =	sld [smem:$0x3FAB]  }
0x29: {  	s4 =	sld [smem:$0x3FAD]  }
0x2a: {  	p0 =	seq.s32 s5, $0x0;
	s5 =	sld [smem:$0x3FAE]  }
0x2b: {  	s6 =	sld [smem:$0x3FAF]  }
0x2c: {  	s7 =	sld [smem:$0x3FB0]  }
0x2d: {  	s3 =	simm.s32 $0x108;
	s8 =	sld [smem:$0x3FB1]  }
0x2e: {  	s3 =	simm.s32 @!p0 $0x1082;
	s9 =	sld [smem:$0x3FB2]  }
0x2f: {  	lr =	sadd.s32 s0, s3;
	s0 =	sld [smem:$0x3FA9]  }
0x30: {  	s3 =	sld [smem:$0x3FAC]  }
0x31: {  	[smem:$0x3FB5] =	sst s10  }
0x32: {  	s10 =	sld [smem:$0x3FB3];
	_ =	sdelay $0x3  }
0x33: {  	p0 =	seq.s32 s10, $0x1;
	s10 =	sld [smem:$0x3FB5];
	_ =	sdelay $0x3  }
0x34: {  	[smem:$0x3FB5] =	sst s10  }
0x35: {  	s10 =	sld [smem:$0x3FB4];
	_ =	sdelay $0x3  }
0x36: {  	p1 =	seq.s32 s10, $0x1;
	s10 =	sld [smem:$0x3FB5];
	_ =	sdelay $0x3  }
0x37: {  	[smem:$0x3FB5] =	sst s10  }
0x38: {  	s10 =	sld [smem:$0x3FB6]  }
0x39: {  	_ = 	snop;
	(pc) =	sbr.ind lr, $3  }
0x3a: {  	_ = 	snop  }
0x3b: {  	_ = 	snop  }
0x3c: {  	p2 =	seq.s32 s10, $0x1;
	s10 =	sld [smem:$0x3FB5]  }
0x3d: {  	_ =	shalt  }
0x3e: {  	_ =	shalt  }
0x3f: {  	_ =	shalt  }
0x40: {  	_ =	shalt  }
0x41: {  	_ =	shalt  }
0x42: {  	_ =	shalt  }
0x43: {  	_ =	shalt  }
0x44: {  	_ =	shalt  }
0x45: {  	_ =	shalt  }
0x46: {  	_ =	shalt  }
0x47: {  	_ =	shalt  }
0x48: {  	_ =	shalt  }
0x49: {  	_ =	shalt  }
0x4a: {  	_ =	shalt  }
0x4b: {  	_ =	shalt  }
0x4c: {  	_ =	shalt  }
0x4d: {  	_ =	shalt  }
0x4e: {  	_ =	shalt  }
0x4f: {  	_ =	shalt  }
0x50: {  	_ =	shalt  }
0x51: {  	_ =	shalt  }
0x52: {  	_ =	shalt  }
0x53: {  	_ =	shalt  }
0x54: {  	_ =	shalt  }
0x55: {  	_ =	shalt  }
0x56: {  	_ =	shalt  }
0x57: {  	_ =	shalt  }
0x58: {  	_ =	shalt  }
0x59: {  	_ =	shalt  }
0x5a: {  	_ =	shalt  }
0x5b: {  	_ =	shalt  }
0x5c: {  	_ =	shalt  }
0x5d: {  	_ =	shalt  }
0x5e: {  	_ =	shalt  }
0x5f: {  	_ =	shalt  }
0x60: {  	_ =	shalt  }
0x61: {  	_ =	shalt  }
0x62: {  	_ =	shalt  }
0x63: {  	_ =	shalt  }
0x64: {  	_ =	shalt  }
0x65: {  	_ =	shalt  }
0x66: {  	_ =	shalt  }
0x67: {  	_ =	shalt  }
0x68: {  	_ =	shalt  }
0x69: {  	_ =	shalt  }
0x6a: {  	_ =	shalt  }
0x6b: {  	_ =	shalt  }
0x6c: {  	_ =	shalt  }
0x6d: {  	_ =	shalt  }
0x6e: {  	_ =	shalt  }
0x6f: {  	_ =	shalt  }
0x70: {  	_ =	shalt  }
0x71: {  	_ =	shalt  }
0x72: {  	_ =	shalt  }
0x73: {  	_ =	shalt  }
0x74: {  	_ =	shalt  }
0x75: {  	_ =	shalt  }
0x76: {  	_ =	shalt  }
0x77: {  	_ =	shalt  }
0x78: {  	_ =	shalt  }
0x79: {  	_ =	shalt  }
0x7a: {  	_ =	shalt  }
0x7b: {  	_ =	shalt  }
0x7c: {  	_ =	shalt  }
0x7d: {  	_ =	shalt  }
0x7e: {  	_ =	shalt  }
0x7f: {  	_ =	shalt  }
0x80: {  	_ =	shalt  }
0x81: {  	_ =	shalt  }
0x82: {  	_ =	shalt  }
0x83: {  	_ =	shalt  }
0x84: {  	_ =	shalt  }
0x85: {  	_ =	shalt  }
0x86: {  	_ =	shalt  }
0x87: {  	_ =	shalt  }
.Lfunc_end0:
.L_simem_size_0:
called_computation.1_lowered:
.L_overlay_start_0:
0x88: {  	s2 =	sld [smem:$0x3FD9]  }
0x89: {  	s3 =	sld [smem:$0x3FFE];
	_ =	sdelay $0x1  }
0x8a: {  	s1 =	srdreg.scid  }
0x8b: {  	s0 =	sand.u32 $0x1, s1  }
0x8c: {  	s14 =	sshll.u32 s0, $0xA;
	s2 =	sadd.s32 s3, s2  }
0x8d: {  	s2 =	sadd.s32 s2, s14  }
0x8e: {  	[smem:$0x3FC1] =	sst s2  }
0x8f: {  	_ = 	snop  }
0x90: {  	s2 =	sld [smem:$0x3FD0];
	_ =	sdelay $0x2  }
0x91: {  	s4 =	simm.s32 $0xA;
	s5 =	simm.s32 $0x10;
	s15 =	sld [smem:$0x3FC8]  }
0x92: {  	[smem:s5], [sflag:s4] =	dma.local [hbm:s2], $0x1  }
0x93: {  	_ =	swait.eq [sflag:s4], $0x1  }
0x94: {  	[sflag:s4] =	ssyncset.done $0x0  }
0x95: {  	[sflag:s4] =	ssyncadd.s32 $0xFFFFFFFF  }
0x96: {  	s16 =	sld [smem:$0x10];
	(tm) =	ssettm $0x1  }
0x97: {  	s17 =	sld [smem:$0x3FFB];
	_ =	sdelay $0x3  }
0x98: {  	_ =	strace s17  }
0x99: {  	s4 =	sld [smem:$0x3FFC];
	_ =	sdelay $0x3  }
0x9a: {  	_ =	strace s4  }
0x9b: {  	s4 =	sld [smem:$0x3FFD];
	_ =	sdelay $0x3  }
0x9c: {  	_ =	strace s4  }
0x9d: {  	_ =	strace $0x8FFFFFFF  }
0x9e: {  	s18 =	sld [smem:$0x3FDB];
	_ =	sdelay $0x1  }
0x9f: {  	s19 =	simm.s32 $_scs_section_size  }
0xa0: {  	s6 =	simm.s32 $_size__tile_overlayer_lowered;
	s7 =	simm.s32 $_tile_overlayer_lowered  }
0xa1: {  	s22 =	simm.s32 $0x1BFF;
	s21 =	sshll.u32 s7, $0x1;
	s4 =	sadd.s32 s19, s18  }
0xa2: {  	s8 =	simm.s32 $0x0;
	s20 =	sshll.u32 s6, $0x1;
	s6 =	sadd.s32 s21, s4  }
0xa3: {  	[timem:s8], [sflag:s22] =	dma.local [hbm:s6], s20  }
0xa4: {  	_ =	swait.ge [sflag:s22], s20  }
0xa5: {  	s5 =	ssub.s32 $0x0, s20;
	[sflag:s22] =	ssyncset.done $0x0  }
0xa6: {  	[sflag:s22] =	ssyncadd.s32 s5;
	_ =	sdelay $0x1  }
0xa7: {  	s23 =	simm.s32 $0x1B8B  }
0xa8: {  	_ =	swait.ge [sflag:s23], $0x1  }
0xa9: {  	[sflag:s23] =	ssyncset.done $0x0  }
0xaa: {  	s25 =	simm.s32 $0x1B8E;
	s24 =	sld [smem:$0x3FFE];
	[sflag:s23] =	ssyncadd.s32 $0xFFFFFFFF  }
0xab: {  	s26 =	simm.s32 $execute0_lowered;
	[smem:$0x3FD2] =	sst s25  }
0xac: {  	s6 =	sshll.u32 s26, $0x1;
	_ =	strace $0x80000049;
	[dreg:$0x1] =	wrdreg $0xFFFFFFFF  }
0xad: {  	s28 =	simm.s32 $_size_execute0_lowered;
	s4 =	sadd.s32 s4, s6;
	[dreg:$0x0] =	wrdreg $0x0  }
0xae: {  	s6 =	sshll.u32 s28, $0x1;
	[dreg:$0x2] =	wrdreg s4  }
0xaf: {  	[dreg:$0x3] =	wrdreg s6  }
0xb0: {  	[dreg:$0x4] =	wrdreg $0xC0  }
0xb1: {  	_ =	task [dreg:s8], $0x5FFFF  }
0xb2: {  	[dreg:$0x1] =	wrdreg $0xFFFFFFFF  }
0xb3: {  	[dreg:$0x0] =	wrdreg $0x60  }
0xb4: {  	[dreg:$0x2] =	wrdreg s16  }
0xb5: {  	[dreg:$0x3] =	wrdreg s24  }
0xb6: {  	[dreg:$0x4] =	wrdreg s15  }
0xb7: {  	[dreg:$0x5] =	wrdreg $0x9  }
0xb8: {  	_ =	task.clear_ibuf [dreg:s8], $0x6FFFF;
	_ =	strace $0x90000049  }
0xb9: {  	s29 =	simm.s32 $0x9;
	_ =	strace $0x8000004B  }
0xba: {  	_ =	swait.ge [sflag:s29], $0x1  }
0xbb: {  	[sflag:s29] =	ssyncadd.s32 $0xFFFFFFFF  }
0xbc: {  	_ =	strace $0x9000004B  }
0xbd: {  	_ =	sfence  }
0xbe: {  	s30 =	sld [smem:$0x0];
	_ =	sdelay $0x2  }
0xbf: {  	s31 =	sshll.u32 s1, $0xD;
	s1 =	sshrl.u32 s1, $0x2  }
0xc0: {  	s3 =	sand.u32 $0x4000, s31;
	s1 =	sadd.s32 s1, s30  }
0xc1: {  	s0 =	sor.u32 s3, s0;
	s1 =	sshll.u32 s1, $0x11  }
0xc2: {  	s0 =	sor.u32 s1, s0  }
0xc3: {  	s0 =	sadd.s32 $0x8F2B, s0  }
0xc4: {  	[sflag:s0] =	ssyncadd.remote.s32 $0x1  }
0xc5: {  	_ =	sfence.sel $0xFFFF  }
0xc6: {  	[dreg:$0x0] =	wrdreg $0xFFFFFFFF;
	(pc) =	sbr.abs _section_cstart, $3  }
0xc7: {  	[dreg:$0x1] =	wrdreg $0xFFFFFFFF  }
0xc8: {  	_ =	task.clear_ibuf [dreg:s8], $0x2FFFF;
	_ =	strace $0x9FFFFFFF  }
0xc9: {  	(tm) =	ssettm $0x7FFFFFFF  }
tec
execute0_lowered:
.L_overlay_start_1:
0x0: {  	(tag) =	ssettag $0x1  }
0x1: {  	s1 =	rddreg [dreg:$0x0]  }
0x2: {  	s7 =	rddreg [dreg:$0x1]  }
0x3: {  	s2 =	rddreg [dreg:$0x2];
	s3 =	srdreg.scid  }
0x4: {  	s0 =	rddreg [dreg:$0x3];
	s4 =	simm.s32 $0x0;
	s8 =	sand.u32 $0x1, s3  }
0x5: {  	s16 =	simm.s32 $0x80;
	s3 =	stileid.u32;
	s5 =	smul.u32 $0x410, s8  }
0x6: {  	s17 =	simm.s32 $0x4080;
	s18 =	simm.s32 $0x0;
	s9 =	smul.u32 $0x820, s3  }
0x7: {  	[smem:$0x7FF] =	sst s4;
	s6 =	sadd.s32 $0x1400, s7;
	s14 =	smul.u32 $0x82000, s8  }
0x8: {  	s7 =	sadd.s32 $0x3C00, s7;
	s10 =	ssub.s32 $0x2, s8;
	s15 =	smul.u32 $0x104000, s3  }
.Ltmp0:
0x9: {  	_ =	strace $0x8000004A;
	s30 =	sshrl.u32 s10, $0x1;
	(pc) =	sbr.rel .LBB2_1-.Ltmp0, $4  }
0xa: {  	s11 =	sshll.u32 s3, $0x14;
	s12 =	ssub.s32 s10, s30;
	s8 =	sadd.s32 s5, s9  }
0xb: {  	s9 =	sor.u32 s14, s11;
	s14 =	sadd.s32 s14, s15;
	s10 =	sshll.u32 s8, $0x9  }
0xc: {  	s15 =	simm.s32 $0x1;
	s13 =	sshrl.u32 s9, $0x3;
	s31 =	sshrl.u32 s10, $0x3  }
0xd: {  	s11 =	smax.u32 s12, $0x1;
	s12 =	sadd.s32 s13, s1;
	s13 =	sadd.s32 s31, s7  }
.LBB2_40:
0xe: {  	[sflag:s15] =	ssyncadd.s32 $0xFFFFFC00  }
.LBB2_41:
0xf: {  	s21 =	sand.u32 $0x1, s20  }
0x10: {  	p0 =	seq.s32 s21, $0x0  }
0x11: {  	s20 =	sand.u32 @!p0 $0x7FE, s20;
	s19 =	sadd.s32 @!p0 s8, s19  }
0x12: {  	s18 =	sadd.s32 $0x1, s18;
	s19 =	sadd.s32 @!p0 s20, s19  }
0x13: {  	p1 =	sne.s32 s18, s11;
	s19 =	sshll.u32 @!p0 s19, $0x6  }
0x14: {  	s21 =	simm.s32 @!p0 $0x4080;
	s20 =	simm.s32 @!p0 $0x0;
	s19 =	sadd.s32 @!p0 s7, s19  }
0x15: {  	[hbm4b:s19+s20] =	stream.linear.scatter @!p0 [tilespmem:s21], [sflag:$0x1], $0x200, $0x38;
	[tilespmem:$0x14080] =	vst v63  }
.Ltmp1:
0x16: {  	_ = 	snop;
	(pc) =	sbr.rel @!p1 .LBB2_42-.Ltmp1, $4  }
0x17: {  	s19 =	simm.s32 @!p0 $0x1  }
0x18: {  	_ =	swait.ge @!p0 [sflag:s19], $0x200  }
0x19: {  	[sflag:s19] =	ssyncset.done @!p0 $0x0  }
0x1a: {  	[sflag:s19] =	ssyncadd.s32 @!p0 $0xFFFFFE00  }
.LBB2_1:
0x1b: {  	[tilespmem:s4], [sflag:$0x1] =	stream.linear.gather [hbm4b:s2+s4], $0x10, $0x38;
	[tilespmem:$0x14080] =	vst v63  }
0x1c: {  	_ =	swait.ge [sflag:s15], $0x10  }
0x1d: {  	[sflag:s15] =	ssyncset.done $0x0  }
0x1e: {  	[sflag:s15] =	ssyncadd.s32 $0xFFFFFFF0  }
0x1f: {  	[tilespmem:s16], [sflag:$0x1] =	stream.linear.gather [hbm4b:s6+s4], $0x14000, $0x38;
	[tilespmem:$0x14080] =	vst v63  }
0x20: {  	_ =	swait.ge [sflag:s15], $0x14000  }
0x21: {  	[sflag:s15] =	ssyncset.done $0x0  }
0x22: {  	[sflag:s15] =	ssyncadd.s32 $0xFFFEC000  }
0x23: {  	v0 =	vld [tilespmem:s3+$0x0];
	_ =	sdelay $0x4  }
0x24: {  	(v2sf) =	vpush v0, $0x0;
	_ =	sdelay $0xe  }
0x25: {  	s20 =	spop (v2sf)  }
0x26: {  	s19 =	ssub.s32 s20, s5  }
0x27: {  	p0 =	sgt.s32 s19, $0x0;
	s21 =	smov.u32 s19  }
0x28: {  	s21 =	simm.s32 @!p0 $0x0  }
0x29: {  	s21 =	smin.u32 s21, $0x410  }
0x2a: {  	s23 =	sshrl.u32 s21, $0x7  }
0x2b: {  	p0 =	seq.s32 s23, $0x0  }
.Ltmp2:
0x2c: {  	_ = 	snop;
	(pc) =	sbr.rel @p0 .LBB2_5-.Ltmp2, $1  }
0x2d: {  	_ =	sdelay $0x3  }
0x2e: {  	p0 =	sne.s32 s23, $0x1  }
.Ltmp3:
0x2f: {  	_ = 	snop;
	(pc) =	sbr.rel @!p0 .LBB2_4-.Ltmp3, $4  }
0x30: {  	s22 =	sshll.u32 s3, $0x6  }
0x31: {  	s23 =	sadd.s32 $0xFFFFFFFF, s23;
	s22 =	sor.u32 $0x1C01, s22  }
0x32: {  	[hbm:s13], [sflag:s22] =	dma.local [hbm:s12], $0x2000  }
0x33: {  	s24 =	smov.u32 s12;
	s25 =	smov.u32 s13;
	_ =	swait.ge [sflag:s15], $0x2000  }
.LBB2_3:
0x34: {  	[sflag:s15] =	ssyncset.done $0x0;
	s24 =	sadd.s32 $0x2000, s24;
	p0 =	sne.s32 s23, $0x1  }
.Ltmp4:
0x35: {  	s25 =	sadd.s32 $0x2000, s25;
	[sflag:s15] =	ssyncadd.s32 $0xFFFFE000;
	(pc) =	sbr.rel @p0 .LBB2_3-.Ltmp4, $3  }
0x36: {  	[hbm:s25], [sflag:s22] =	dma.local [hbm:s24], $0x2000  }
0x37: {  	s23 =	sadd.s32 $0xFFFFFFFF, s23;
	_ =	sdelay $0x1  }
0x38: {  	_ =	swait.ge [sflag:s15], $0x2000  }
.LBB2_4:
0x39: {  	[sflag:s15] =	ssyncset.done $0x0  }
0x3a: {  	[sflag:s15] =	ssyncadd.s32 $0xFFFFE000  }
.LBB2_5:
0x3b: {  	s22 =	sshrl.u32 s21, $0x4  }
0x3c: {  	s22 =	sand.u32 $0x7, s22  }
0x3d: {  	p0 =	seq.s32 s22, $0x0  }
.Ltmp5:
0x3e: {  	_ = 	snop;
	(pc) =	sbr.rel @p0 .LBB2_9-.Ltmp5, $1  }
0x3f: {  	_ =	sdelay $0x3  }
0x40: {  	s23 =	sshll.u32 s21, $0x9;
	s25 =	sshll.u32 s22, $0xA  }
0x41: {  	s23 =	sand.u32 $0xF0000, s23;
	p0 =	sne.s32 s25, $0x400  }
.Ltmp6:
0x42: {  	s31 =	sadd.s32 s23, s14;
	s23 =	sadd.s32 s23, s9;
	(pc) =	sbr.rel @!p0 .LBB2_8-.Ltmp6, $4  }
0x43: {  	s24 =	sshll.u32 s3, $0x6;
	s22 =	sshrl.u32 s31, $0x3;
	s23 =	sshrl.u32 s23, $0x3  }
0x44: {  	s24 =	sor.u32 $0x1C01, s24;
	s22 =	sadd.s32 s22, s7;
	s23 =	sadd.s32 s23, s1  }
0x45: {  	[hbm:s22], [sflag:s24] =	dma.local [hbm:s23], $0x400  }
0x46: {  	s25 =	sadd.s32 $0xFFFFFC00, s25;
	_ =	swait.ge [sflag:s15], $0x400  }
.LBB2_7:
0x47: {  	[sflag:s15] =	ssyncset.done $0x0;
	s22 =	sadd.s32 $0x400, s22;
	p0 =	sne.s32 s25, $0x400  }
.Ltmp7:
0x48: {  	s23 =	sadd.s32 $0x400, s23;
	[sflag:s15] =	ssyncadd.s32 $0xFFFFFC00;
	(pc) =	sbr.rel @p0 .LBB2_7-.Ltmp7, $3  }
0x49: {  	[hbm:s22], [sflag:s24] =	dma.local [hbm:s23], $0x400  }
0x4a: {  	s25 =	sadd.s32 $0xFFFFFC00, s25;
	_ =	sdelay $0x1  }
0x4b: {  	_ =	swait.ge [sflag:s15], $0x400  }
.LBB2_8:
0x4c: {  	[sflag:s15] =	ssyncset.done $0x0  }
0x4d: {  	[sflag:s15] =	ssyncadd.s32 $0xFFFFFC00  }
.LBB2_9:
0x4e: {  	s22 =	sshrl.u32 s21, $0x1  }
0x4f: {  	s22 =	sand.u32 $0x7, s22  }
0x50: {  	p0 =	seq.s32 s22, $0x0  }
.Ltmp8:
0x51: {  	_ = 	snop;
	(pc) =	sbr.rel @p0 .LBB2_13-.Ltmp8, $1  }
0x52: {  	_ =	sdelay $0x3  }
0x53: {  	s23 =	sshll.u32 s21, $0x9;
	s25 =	sshll.u32 s22, $0x7  }
0x54: {  	s23 =	sand.u32 $0xFE000, s23;
	p0 =	sne.s32 s25, $0x80  }
.Ltmp9:
0x55: {  	s31 =	sadd.s32 s23, s14;
	s23 =	sadd.s32 s23, s9;
	(pc) =	sbr.rel @!p0 .LBB2_12-.Ltmp9, $4  }
0x56: {  	s24 =	sshll.u32 s3, $0x6;
	s22 =	sshrl.u32 s31, $0x3;
	s23 =	sshrl.u32 s23, $0x3  }
0x57: {  	s24 =	sor.u32 $0x1C01, s24;
	s22 =	sadd.s32 s22, s7;
	s23 =	sadd.s32 s23, s1  }
0x58: {  	[hbm:s22], [sflag:s24] =	dma.local [hbm:s23], $0x80  }
0x59: {  	s25 =	sadd.s32 $0xFFFFFF80, s25;
	_ =	swait.ge [sflag:s15], $0x80  }
.LBB2_11:
0x5a: {  	[sflag:s15] =	ssyncset.done $0x0;
	s22 =	sadd.s32 $0x80, s22;
	p0 =	sne.s32 s25, $0x80  }
.Ltmp10:
0x5b: {  	s23 =	sadd.s32 $0x80, s23;
	[sflag:s15] =	ssyncadd.s32 $0xFFFFFF80;
	(pc) =	sbr.rel @p0 .LBB2_11-.Ltmp10, $3  }
0x5c: {  	[hbm:s22], [sflag:s24] =	dma.local [hbm:s23], $0x80  }
0x5d: {  	s25 =	sadd.s32 $0xFFFFFF80, s25;
	_ =	sdelay $0x1  }
0x5e: {  	_ =	swait.ge [sflag:s15], $0x80  }
.LBB2_12:
0x5f: {  	[sflag:s15] =	ssyncset.done $0x0  }
0x60: {  	[sflag:s15] =	ssyncadd.s32 $0xFFFFFF80  }
.LBB2_13:
0x61: {  	s22 =	sand.u32 $0x1, s21  }
0x62: {  	s19 =	sadd.s32 $0x20, s19;
	p0 =	seq.s32 s22, $0x0  }
0x63: {  	p1 =	sgt.s32 s19, $0x0;
	s22 =	sshll.u32 @!p0 s21, $0x9  }
0x64: {  	s19 =	simm.s32 @!p1 $0x0;
	s22 =	sand.u32 @!p0 $0xFFC00, s22  }
0x65: {  	s24 =	sshll.u32 @!p0 s3, $0x6;
	s23 =	sadd.s32 @!p0 s9, s22;
	s22 =	sadd.s32 @!p0 s10, s22  }
0x66: {  	s19 =	smin.u32 s19, $0x410;
	s22 =	sshrl.u32 @!p0 s22, $0x3;
	s23 =	sshrl.u32 @!p0 s23, $0x3  }
0x67: {  	s24 =	sor.u32 @!p0 $0x1C01, s24;
	s22 =	sadd.s32 @!p0 s7, s22;
	s23 =	sadd.s32 @!p0 s1, s23  }
0x68: {  	[hbm:s22], [sflag:s24] =	dma.local @!p0 [hbm:s23], $0x40  }
0x69: {  	s22 =	ssub.s32 s19, s21  }
0x6a: {  	p1 =	slt.s32 s22, $0x80  }
.Ltmp11:
0x6b: {  	_ = 	snop;
	(pc) =	sbr.rel @p1 .LBB2_17-.Ltmp11, $4  }
0x6c: {  	s23 =	simm.s32 @!p0 $0x1;
	s31 =	sshrl.u32 s22, $0x18  }
0x6d: {  	_ =	swait.ge @!p0 [sflag:s23], $0x40;
	s24 =	sand.u32 $0x7F, s31  }
0x6e: {  	[sflag:s23] =	ssyncset.done @!p0 $0x0;
	s24 =	sadd.s32 s24, s22  }
0x6f: {  	[sflag:s23] =	ssyncadd.s32 @!p0 $0xFFFFFFC0;
	s23 =	sadd.s32 s21, s8;
	s24 =	sshra.s32 s24, $0x7  }
0x70: {  	s25 =	ssub.s32 s5, s20  }
0x71: {  	p0 =	sne.s32 s24, $0x1;
	s25 =	sadd.s32 s21, s25  }
.Ltmp12:
0x72: {  	s28 =	sshll.u32 s23, $0x6;
	s25 =	sshll.u32 s25, $0xB;
	(pc) =	sbr.rel @!p0 .LBB2_16-.Ltmp12, $4  }
0x73: {  	s26 =	sand.u32 $0x1FFFFFC0, s28;
	s25 =	sshra.s32 s25, $0x2  }
0x74: {  	s26 =	sadd.s32 s7, s26;
	s25 =	sor.u32 $0x80, s25  }
0x75: {  	[hbm4b:s26+s4] =	stream.linear.scatter [tilespmem:s25], [sflag:$0x1], $0x10000, $0x38;
	[tilespmem:$0x14080] =	vst v63  }
0x76: {  	s28 =	sadd.s32 $0x2000, s28;
	s26 =	sadd.s32 $0xFFFFFFFF, s24;
	_ =	swait.ge [sflag:s15], $0x10000  }
.LBB2_15:
0x77: {  	s29 =	sand.u32 $0x1FFFFFC0, s28  }
0x78: {  	[sflag:s15] =	ssyncset.done $0x0;
	s25 =	sadd.s32 $0x10000, s25;
	p0 =	sne.s32 s26, $0x1  }
.Ltmp13:
0x79: {  	s29 =	sadd.s32 s7, s29;
	[sflag:s15] =	ssyncadd.s32 $0xFFFF0000;
	(pc) =	sbr.rel @p0 .LBB2_15-.Ltmp13, $3  }
0x7a: {  	[hbm4b:s29+s4] =	stream.linear.scatter [tilespmem:s25], [sflag:$0x1], $0x10000, $0x38;
	[tilespmem:$0x14080] =	vst v63  }
0x7b: {  	s26 =	sadd.s32 $0xFFFFFFFF, s26;
	_ =	sdelay $0x1  }
0x7c: {  	s28 =	sadd.s32 $0x2000, s28;
	_ =	swait.ge [sflag:s15], $0x10000  }
.LBB2_16:
0x7d: {  	[sflag:s15] =	ssyncset.done $0x0  }
0x7e: {  	[sflag:s15] =	ssyncadd.s32 $0xFFFF0000  }
.LBB2_17:
0x7f: {  	s26 =	sshll.u32 s24, $0x7  }
0x80: {  	s24 =	ssub.s32 s22, s26  }
0x81: {  	p0 =	slt.s32 s24, $0x10  }
.Ltmp14:
0x82: {  	_ = 	snop;
	(pc) =	sbr.rel @p0 .LBB2_21-.Ltmp14, $4  }
0x83: {  	s22 =	sshrl.u32 s24, $0x1B  }
0x84: {  	s22 =	sand.u32 $0xF, s22  }
0x85: {  	s28 =	sadd.s32 s21, s5;
	s22 =	sadd.s32 s22, s24  }
0x86: {  	s21 =	sadd.s32 s26, s23;
	s25 =	sshra.s32 s22, $0x4;
	s22 =	sadd.s32 s26, s28  }
0x87: {  	s23 =	ssub.s32 s22, s20;
	p0 =	sne.s32 s25, $0x1  }
.Ltmp15:
0x88: {  	s28 =	sshll.u32 s21, $0x6;
	s23 =	sshll.u32 s23, $0xB;
	(pc) =	sbr.rel @!p0 .LBB2_20-.Ltmp15, $4  }
0x89: {  	s26 =	sand.u32 $0x1FFFFFC0, s28;
	s23 =	sshra.s32 s23, $0x2  }
0x8a: {  	s26 =	sadd.s32 s7, s26;
	s23 =	sor.u32 $0x80, s23  }
0x8b: {  	[hbm4b:s26+s4] =	stream.linear.scatter [tilespmem:s23], [sflag:$0x1], $0x2000, $0x38;
	[tilespmem:$0x14080] =	vst v63  }
0x8c: {  	s28 =	sadd.s32 $0x400, s28;
	s26 =	sadd.s32 $0xFFFFFFFF, s25;
	_ =	swait.ge [sflag:s15], $0x2000  }
.LBB2_19:
0x8d: {  	s29 =	sand.u32 $0x1FFFFFC0, s28  }
0x8e: {  	[sflag:s15] =	ssyncset.done $0x0;
	s23 =	sadd.s32 $0x2000, s23;
	p0 =	sne.s32 s26, $0x1  }
.Ltmp16:
0x8f: {  	s29 =	sadd.s32 s7, s29;
	[sflag:s15] =	ssyncadd.s32 $0xFFFFE000;
	(pc) =	sbr.rel @p0 .LBB2_19-.Ltmp16, $3  }
0x90: {  	[hbm4b:s29+s4] =	stream.linear.scatter [tilespmem:s23], [sflag:$0x1], $0x2000, $0x38;
	[tilespmem:$0x14080] =	vst v63  }
0x91: {  	s26 =	sadd.s32 $0xFFFFFFFF, s26;
	_ =	sdelay $0x1  }
0x92: {  	s28 =	sadd.s32 $0x400, s28;
	_ =	swait.ge [sflag:s15], $0x2000  }
.LBB2_20:
0x93: {  	[sflag:s15] =	ssyncset.done $0x0  }
0x94: {  	[sflag:s15] =	ssyncadd.s32 $0xFFFFE000  }
.LBB2_21:
0x95: {  	s23 =	sshll.u32 s25, $0x4  }
0x96: {  	s24 =	ssub.s32 s24, s23  }
0x97: {  	p0 =	slt.s32 s24, $0x2  }
.Ltmp17:
0x98: {  	s31 =	sand.u32 $0x8000, s24;
	(pc) =	sbr.rel @p0 .LBB2_25-.Ltmp17, $4  }
0x99: {  	s25 =	sshrl.u32 s31, $0xF  }
0x9a: {  	s25 =	sadd.s32 s25, s24  }
0x9b: {  	s25 =	sshll.u32 s25, $0x10  }
0x9c: {  	s25 =	sshra.s32 s25, $0x11  }
0x9d: {  	s26 =	sadd.s32 s23, s22  }
0x9e: {  	s28 =	sadd.s32 s23, s21;
	p0 =	sne.s32 s25, $0x1;
	s26 =	ssub.s32 s26, s20  }
.Ltmp18:
0x9f: {  	s29 =	sshll.u32 s28, $0x6;
	s26 =	sshll.u32 s26, $0xB;
	(pc) =	sbr.rel @!p0 .LBB2_24-.Ltmp18, $4  }
0xa0: {  	s28 =	sand.u32 $0x1FFFFFC0, s29;
	s26 =	sshra.s32 s26, $0x2  }
0xa1: {  	s28 =	sadd.s32 s7, s28;
	s26 =	sor.u32 $0x80, s26  }
0xa2: {  	[hbm4b:s28+s4] =	stream.linear.scatter [tilespmem:s26], [sflag:$0x1], $0x400, $0x38;
	[tilespmem:$0x14080] =	vst v63  }
0xa3: {  	s29 =	sadd.s32 $0x80, s29;
	s28 =	sadd.s32 $0xFFFFFFFF, s25;
	_ =	swait.ge [sflag:s15], $0x400  }
.LBB2_23:
0xa4: {  	s30 =	sand.u32 $0x1FFFFFC0, s29  }
0xa5: {  	[sflag:s15] =	ssyncset.done $0x0;
	s26 =	sadd.s32 $0x400, s26;
	p0 =	sne.s32 s28, $0x1  }
.Ltmp19:
0xa6: {  	s30 =	sadd.s32 s7, s30;
	[sflag:s15] =	ssyncadd.s32 $0xFFFFFC00;
	(pc) =	sbr.rel @p0 .LBB2_23-.Ltmp19, $3  }
0xa7: {  	[hbm4b:s30+s4] =	stream.linear.scatter [tilespmem:s26], [sflag:$0x1], $0x400, $0x38;
	[tilespmem:$0x14080] =	vst v63  }
0xa8: {  	s28 =	sadd.s32 $0xFFFFFFFF, s28;
	_ =	sdelay $0x1  }
0xa9: {  	s29 =	sadd.s32 $0x80, s29;
	_ =	swait.ge [sflag:s15], $0x400  }
.LBB2_24:
0xaa: {  	[sflag:s15] =	ssyncset.done $0x0  }
0xab: {  	[sflag:s15] =	ssyncadd.s32 $0xFFFFFC00  }
.LBB2_25:
0xac: {  	s25 =	sshll.u32 s25, $0x1  }
0xad: {  	s24 =	ssub.s32 s24, s25  }
0xae: {  	p0 =	slt.s32 s24, $0x1  }
.Ltmp20:
0xaf: {  	_ = 	snop;
	(pc) =	sbr.rel @p0 .LBB2_29-.Ltmp20, $1  }
0xb0: {  	_ =	sdelay $0x3  }
0xb1: {  	s22 =	sadd.s32 s23, s22  }
0xb2: {  	s21 =	sadd.s32 s23, s21;
	s22 =	sadd.s32 s25, s22  }
0xb3: {  	s21 =	sadd.s32 s25, s21;
	s22 =	ssub.s32 s22, s20  }
0xb4: {  	p0 =	sgt.s32 s24, $0x1;
	s20 =	sshll.u32 s21, $0x6;
	s28 =	sshll.u32 s22, $0xB  }
.Ltmp21:
0xb5: {  	s29 =	sand.u32 $0x1FFFFFC0, s20;
	s21 =	sshra.s32 s28, $0x2;
	(pc) =	sbr.rel @!p0 .LBB2_28-.Ltmp21, $4  }
0xb6: {  	s31 =	sadd.s32 s7, s29;
	s30 =	sor.u32 $0x80, s21  }
0xb7: {  	[hbm4b:s31+s4] =	stream.linear.scatter [tilespmem:s30], [sflag:$0x1], $0x200, $0x38;
	[tilespmem:$0x14080] =	vst v63  }
0xb8: {  	_ =	swait.ge [sflag:s15], $0x200  }
0xb9: {  	s21 =	simm.s32 $0x1;
	s22 =	sadd.s32 $0x200, s30;
	[sflag:s15] =	ssyncset.done $0x0  }
.LBB2_27:
0xba: {  	s21 =	sadd.s32 $0x1, s21  }
0xbb: {  	[sflag:s15] =	ssyncadd.s32 $0xFFFFFE00;
	s20 =	sadd.s32 $0x40, s20;
	p0 =	slt.s32 s21, s24  }
.Ltmp22:
0xbc: {  	s23 =	sand.u32 $0x1FFFFFC0, s20;
	(pc) =	sbr.rel @p0 .LBB2_27-.Ltmp22, $4  }
0xbd: {  	s23 =	sadd.s32 s7, s23  }
0xbe: {  	[hbm4b:s23+s4] =	stream.linear.scatter [tilespmem:s22], [sflag:$0x1], $0x200, $0x38;
	[tilespmem:$0x14080] =	vst v63  }
0xbf: {  	_ =	swait.ge [sflag:s15], $0x200  }
0xc0: {  	s22 =	sadd.s32 $0x200, s22;
	[sflag:s15] =	ssyncset.done $0x0  }
.LBB2_28:
0xc1: {  	[sflag:s15] =	ssyncadd.s32 $0xFFFFFE00  }
.LBB2_29:
0xc2: {  	s20 =	ssub.s32 $0x410, s19  }
0xc3: {  	s22 =	sshrl.u32 s20, $0x7  }
0xc4: {  	p0 =	seq.s32 s22, $0x0  }
.Ltmp23:
0xc5: {  	_ = 	snop;
	(pc) =	sbr.rel @p0 .LBB2_33-.Ltmp23, $1  }
0xc6: {  	_ =	sdelay $0x3  }
0xc7: {  	s23 =	sshll.u32 s22, $0xD  }
0xc8: {  	s21 =	sadd.s32 s8, s19;
	p0 =	sne.s32 s23, $0x2000  }
.Ltmp24:
0xc9: {  	s21 =	sshll.u32 s21, $0x6;
	(pc) =	sbr.rel @!p0 .LBB2_32-.Ltmp24, $4  }
0xca: {  	s21 =	sadd.s32 s21, s7  }
0xcb: {  	[hbm4b:s21+s4] =	stream.linear.scatter [tilespmem:s17], [sflag:$0x1], $0x10000, $0x38;
	[tilespmem:$0x14080] =	vst v63  }
0xcc: {  	_ =	swait.ge [sflag:s15], $0x10000  }
0xcd: {  	s23 =	sadd.s32 $0xFFFFE000, s23;
	[sflag:s15] =	ssyncset.done $0x0  }
.LBB2_31:
0xce: {  	p0 =	sne.s32 s23, $0x2000;
	[sflag:s15] =	ssyncadd.s32 $0xFFFF0000;
	s21 =	sadd.s32 $0x2000, s21  }
.Ltmp25:
0xcf: {  	s23 =	sadd.s32 $0xFFFFE000, s23;
	(pc) =	sbr.rel @p0 .LBB2_31-.Ltmp25, $4  }
0xd0: {  	_ = 	snop  }
0xd1: {  	[hbm4b:s21+s4] =	stream.linear.scatter [tilespmem:s17], [sflag:$0x1], $0x10000, $0x38;
	[tilespmem:$0x14080] =	vst v63  }
0xd2: {  	_ =	swait.ge [sflag:s15], $0x10000  }
0xd3: {  	[sflag:s15] =	ssyncset.done $0x0  }
.LBB2_32:
0xd4: {  	[sflag:s15] =	ssyncadd.s32 $0xFFFF0000  }
.LBB2_33:
0xd5: {  	s21 =	sshrl.u32 s20, $0x4  }
0xd6: {  	s23 =	sand.u32 $0x7, s21  }
0xd7: {  	p0 =	seq.s32 s23, $0x0  }
.Ltmp26:
0xd8: {  	_ = 	snop;
	(pc) =	sbr.rel @p0 .LBB2_37-.Ltmp26, $1  }
0xd9: {  	_ =	sdelay $0x3  }
0xda: {  	s22 =	sshll.u32 s22, $0x7  }
0xdb: {  	s22 =	sadd.s32 s22, s8  }
0xdc: {  	p0 =	sne.s32 s23, $0x1;
	s22 =	sadd.s32 s19, s22  }
.Ltmp27:
0xdd: {  	s22 =	sshll.u32 s22, $0x6;
	(pc) =	sbr.rel @!p0 .LBB2_36-.Ltmp27, $4  }
0xde: {  	s22 =	sadd.s32 s22, s7  }
0xdf: {  	[hbm4b:s22+s4] =	stream.linear.scatter [tilespmem:s17], [sflag:$0x1], $0x2000, $0x38;
	[tilespmem:$0x14080] =	vst v63  }
0xe0: {  	_ =	swait.ge [sflag:s15], $0x2000  }
0xe1: {  	s23 =	sadd.s32 $0xFFFFFFFF, s23;
	[sflag:s15] =	ssyncset.done $0x0  }
.LBB2_35:
0xe2: {  	p0 =	sne.s32 s23, $0x1;
	[sflag:s15] =	ssyncadd.s32 $0xFFFFE000;
	s22 =	sadd.s32 $0x400, s22  }
.Ltmp28:
0xe3: {  	s23 =	sadd.s32 $0xFFFFFFFF, s23;
	(pc) =	sbr.rel @p0 .LBB2_35-.Ltmp28, $4  }
0xe4: {  	_ = 	snop  }
0xe5: {  	[hbm4b:s22+s4] =	stream.linear.scatter [tilespmem:s17], [sflag:$0x1], $0x2000, $0x38;
	[tilespmem:$0x14080] =	vst v63  }
0xe6: {  	_ =	swait.ge [sflag:s15], $0x2000  }
0xe7: {  	[sflag:s15] =	ssyncset.done $0x0  }
.LBB2_36:
0xe8: {  	[sflag:s15] =	ssyncadd.s32 $0xFFFFE000  }
.LBB2_37:
0xe9: {  	s22 =	sshrl.u32 s20, $0x1  }
0xea: {  	s22 =	sand.u32 $0x7, s22  }
0xeb: {  	p0 =	seq.s32 s22, $0x0  }
.Ltmp29:
0xec: {  	_ = 	snop;
	(pc) =	sbr.rel @p0 .LBB2_41-.Ltmp29, $1  }
0xed: {  	_ =	sdelay $0x3  }
0xee: {  	s21 =	sshll.u32 s21, $0x4  }
0xef: {  	s21 =	sadd.s32 s21, s8  }
0xf0: {  	p0 =	sne.s32 s22, $0x1;
	s21 =	sadd.s32 s19, s21  }
.Ltmp30:
0xf1: {  	s21 =	sshll.u32 s21, $0x6;
	(pc) =	sbr.rel @!p0 .LBB2_40-.Ltmp30, $4  }
0xf2: {  	s21 =	sadd.s32 s21, s7  }
0xf3: {  	[hbm4b:s21+s4] =	stream.linear.scatter [tilespmem:s17], [sflag:$0x1], $0x400, $0x38;
	[tilespmem:$0x14080] =	vst v63  }
0xf4: {  	_ =	swait.ge [sflag:s15], $0x400  }
0xf5: {  	s22 =	sadd.s32 $0xFFFFFFFF, s22;
	[sflag:s15] =	ssyncset.done $0x0  }
.LBB2_39:
0xf6: {  	p0 =	sne.s32 s22, $0x1;
	[sflag:s15] =	ssyncadd.s32 $0xFFFFFC00;
	s21 =	sadd.s32 $0x80, s21  }
.Ltmp31:
0xf7: {  	s22 =	sadd.s32 $0xFFFFFFFF, s22;
	(pc) =	sbr.rel @p0 .LBB2_39-.Ltmp31, $4  }
0xf8: {  	_ = 	snop  }
0xf9: {  	[hbm4b:s21+s4] =	stream.linear.scatter [tilespmem:s17], [sflag:$0x1], $0x400, $0x38;
	[tilespmem:$0x14080] =	vst v63  }
0xfa: {  	_ =	swait.ge [sflag:s15], $0x400  }
0xfb: {  	[sflag:s15] =	ssyncset.done $0x0  }
.Ltmp32:
0xfc: {  	_ = 	snop;
	(pc) =	sbr.rel .LBB2_40-.Ltmp32, $1  }
0xfd: {  	_ =	sdelay $0x3  }
.LBB2_42:
0xfe: {  	_ =	sfence.sel $0x180000  }
0xff: {  	[bflag:$0x0] =	sbarrier.arrive $0xFFFF  }
0x100: {  	p0 =	sne.s32 s3, $0x0;
	_ =	strace $0x9000004A  }
0x101: {  	s0 =	sadd.s32 @!p0 $0x100000, s0;
	[bflag:$0x2] =	sbarrier.arrive $0xFFFF  }
0x102: {  	[sflag:s0] =	ssyncadd.tile.s32 @!p0 $0x1;
	_ =	shalt  }
.Lfunc_end2:
_tile_overlayer_lowered:
.L_overlay_start_2:
0x103: {  	(tag) =	ssettag $0x2  }
0x104: {  	s0 =	rddreg [dreg:$0x0];
	s2 =	stileid.u32  }
0x105: {  	s1 =	rddreg [dreg:$0x1];
	p0 =	sne.s32 s2, $0x0  }
0x106: {  	s3 =	rddreg [dreg:$0x2];
	[bflag:$0x3] =	sbarrier.arrive $0xFFFF;
	s2 =	simm.s32 @!p0 $0x1C01  }
0x107: {  	[timem:s3], [sflag:s2] =	dma.local @!p0 [hbm:s0], s1  }
0x108: {  	s0 =	simm.s32 @!p0 $0x1  }
0x109: {  	_ =	swait.ge @!p0 [sflag:s0], s1  }
0x10a: {  	s1 =	ssub.s32 @!p0 $0x0, s1;
	[sflag:s0] =	ssyncset.done @!p0 $0x0  }
0x10b: {  	[sflag:s0] =	ssyncadd.s32 @!p0 s1  }
0x10c: {  	[bflag:$0x3] =	sbarrier.arrive $0xFFFF  }
0x10d: {  	_ =	shalt  }

// kernel: sparse-core-data-format-call.cloned.1.call-start
scs
called_computation_lowered:
.L_overlay_start_0:
0x0: {  	s2 =	sld [smem:$0x3FD9]  }
0x1: {  	s3 =	sld [smem:$0x3FFE];
	_ =	sdelay $0x1  }
0x2: {  	s1 =	srdreg.scid  }
0x3: {  	s0 =	sand.u32 $0x1, s1  }
0x4: {  	s16 =	sshll.u32 s0, $0xA;
	s2 =	sadd.s32 s3, s2  }
0x5: {  	s2 =	sadd.s32 s2, s16  }
0x6: {  	[smem:$0x3FC1] =	sst s2  }
0x7: {  	_ = 	snop  }
0x8: {  	s2 =	sld [smem:$0x3FD0];
	_ =	sdelay $0x2  }
0x9: {  	s4 =	simm.s32 $0xA;
	s5 =	simm.s32 $0x10;
	s17 =	sld [smem:$0x3FC9]  }
0xa: {  	[smem:s5], [sflag:s4] =	dma.local [hbm:s2], $0x1  }
0xb: {  	_ =	swait.eq [sflag:s4], $0x1  }
0xc: {  	[sflag:s4] =	ssyncset.done $0x0  }
0xd: {  	[sflag:s4] =	ssyncadd.s32 $0xFFFFFFFF  }
0xe: {  	s18 =	sld [smem:$0x10];
	(tm) =	ssettm $0x1  }
0xf: {  	s19 =	sld [smem:$0x3FFB];
	_ =	sdelay $0x3  }
0x10: {  	_ =	strace s19  }
0x11: {  	s4 =	sld [smem:$0x3FFC];
	_ =	sdelay $0x3  }
0x12: {  	_ =	strace s4  }
0x13: {  	s4 =	sld [smem:$0x3FFD];
	_ =	sdelay $0x3  }
0x14: {  	_ =	strace s4  }
0x15: {  	_ =	strace $0x8FFFFFFF  }
0x16: {  	s20 =	sld [smem:$0x3FDB];
	_ =	sdelay $0x1  }
0x17: {  	s21 =	simm.s32 $_scs_section_size  }
0x18: {  	s6 =	simm.s32 $_size__tile_overlayer_lowered;
	s7 =	simm.s32 $_tile_overlayer_lowered  }
0x19: {  	s24 =	simm.s32 $0x1BFF;
	s23 =	sshll.u32 s7, $0x1;
	s4 =	sadd.s32 s21, s20  }
0x1a: {  	s8 =	simm.s32 $0x0;
	s22 =	sshll.u32 s6, $0x1;
	s6 =	sadd.s32 s23, s4  }
0x1b: {  	[timem:s8], [sflag:s24] =	dma.local [hbm:s6], s22  }
0x1c: {  	_ =	swait.ge [sflag:s24], s22  }
0x1d: {  	s5 =	ssub.s32 $0x0, s22;
	[sflag:s24] =	ssyncset.done $0x0  }
0x1e: {  	[sflag:s24] =	ssyncadd.s32 s5;
	_ =	sdelay $0x1  }
0x1f: {  	s25 =	simm.s32 $0x1B8B  }
0x20: {  	_ =	swait.ge [sflag:s25], $0x1  }
0x21: {  	[sflag:s25] =	ssyncset.done $0x0  }
0x22: {  	s26 =	simm.s32 $0x1B8E;
	[sflag:s25] =	ssyncadd.s32 $0xFFFFFFFF  }
0x23: {  	s27 =	simm.s32 $execute0_lowered;
	[smem:$0x3FD2] =	sst s26  }
0x24: {  	s5 =	sshll.u32 s27, $0x1;
	_ =	strace $0x80000046;
	[dreg:$0x1] =	wrdreg $0xFFFFFFFF  }
0x25: {  	s28 =	simm.s32 $_size_execute0_lowered;
	s4 =	sadd.s32 s4, s5;
	[dreg:$0x0] =	wrdreg $0x0  }
0x26: {  	s5 =	sshll.u32 s28, $0x1;
	[dreg:$0x2] =	wrdreg s4  }
0x27: {  	[dreg:$0x3] =	wrdreg s5  }
0x28: {  	[dreg:$0x4] =	wrdreg $0xC0  }
0x29: {  	_ =	task [dreg:s8], $0x5FFFF  }
0x2a: {  	[dreg:$0x1] =	wrdreg $0xFFFFFFFF  }
0x2b: {  	[dreg:$0x0] =	wrdreg $0x60  }
0x2c: {  	[dreg:$0x2] =	wrdreg s17  }
0x2d: {  	[dreg:$0x3] =	wrdreg s18  }
0x2e: {  	[dreg:$0x4] =	wrdreg $0x9  }
0x2f: {  	_ =	task.clear_ibuf [dreg:s8], $0x5FFFF;
	_ =	strace $0x90000046  }
0x30: {  	s29 =	simm.s32 $0x9;
	_ =	strace $0x80000048  }
0x31: {  	_ =	swait.ge [sflag:s29], $0x1  }
0x32: {  	[sflag:s29] =	ssyncadd.s32 $0xFFFFFFFF  }
0x33: {  	_ =	strace $0x90000048  }
0x34: {  	_ =	sfence  }
0x35: {  	s30 =	sld [smem:$0x0];
	_ =	sdelay $0x2  }
0x36: {  	s31 =	sshll.u32 s1, $0xD;
	s1 =	sshrl.u32 s1, $0x2  }
0x37: {  	s3 =	sand.u32 $0x4000, s31;
	s1 =	sadd.s32 s1, s30  }
0x38: {  	s0 =	sor.u32 s3, s0;
	s1 =	sshll.u32 s1, $0x11  }
0x39: {  	s0 =	sor.u32 s1, s0  }
0x3a: {  	s0 =	sadd.s32 $0x8F2B, s0  }
0x3b: {  	[sflag:s0] =	ssyncadd.remote.s32 $0x1  }
0x3c: {  	_ =	sfence.sel $0xFFFF  }
0x3d: {  	[dreg:$0x0] =	wrdreg $0xFFFFFFFF;
	(pc) =	sbr.abs _section_cstart, $3  }
0x3e: {  	[dreg:$0x1] =	wrdreg $0xFFFFFFFF  }
0x3f: {  	_ =	task.clear_ibuf [dreg:s8], $0x2FFFF;
	_ =	strace $0x9FFFFFFF  }
0x40: {  	(tm) =	ssettm $0x7FFFFFFF  }
0x41: {  	_ =	shalt  }
tec
execute0_lowered:
.L_overlay_start_1:
0x0: {  	(tag) =	ssettag $0x1  }
0x1: {  	s0 =	srdreg.scid  }
0x2: {  	s1 =	sshll.u32 s0, $0x4  }
0x3: {  	s2 =	rddreg [dreg:$0x0];
	s0 =	stileid.u32;
	s1 =	sand.u32 $0x10, s1  }
0x4: {  	s4 =	rddreg [dreg:$0x1];
	s1 =	sor.u32 s0, s1  }
0x5: {  	s7 =	simm.s32 $0x1;
	s8 =	simm.s32 $0x2;
	s3 =	sshll.u32 s1, $0x2  }
0x6: {  	s9 =	simm.s32 $0x0;
	s12 =	simm.s32 $0x0;
	s6 =	ssub.s32 $0x1000, s3  }
.Ltmp0:
0x7: {  	s11 =	simm.s32 $0x0;
	s5 =	sand.u32 $0x7C, s6;
	(pc) =	sbr.rel .LBB1_1-.Ltmp0, $4  }
0x8: {  	s1 =	rddreg [dreg:$0x2];
	_ =	strace $0x80000047;
	p0 =	sne.s32 s5, $0x0  }
0x9: {  	s6 =	sshrl.u32 s6, $0x7;
	s5 =	simm.s32 $0x1;
	s7 =	simm.s32 @!p0 $0x0  }
0xa: {  	s10 =	smov.u32 s3;
	[sflag:s5] =	ssyncpa.u1 $0x0;
	s6 =	sadd.s32 s7, s6  }
0xb: {  	[sflag:s8] =	ssyncpa.u1 $0x0;
	s8 =	simm.s32 $0x0;
	s7 =	sadd.s32 $0x1, s6  }
.LBB1_9:
0xc: {  	s14 =	sadd.s32 $0x80, s10  }
0xd: {  	p1 =	sgt.s32 s14, $0xFFF  }
0xe: {  	s14 =	smov.u32 @p1 s3;
	p1 =	sne.s32 s11, s7  }
.Ltmp1:
0xf: {  	p0 =	slt.u32 s11, $0x2;
	(pc) =	sbr.rel @!p1 .LBB1_10-.Ltmp1, $4  }
0x10: {  	s13 =	simm.s32 @!p0 $0x2  }
0x11: {  	s15 =	sadd.s32 $0x1, s11;
	_ =	swait.ge @!p0 [sflag:s13], $0x4000  }
0x12: {  	s12 =	smov.u32 s10;
	s9 =	sadd.s32 $0x4000, s9;
	[sflag:s13] =	ssyncset.done @!p0 $0x0  }
0x13: {  	s11 =	smov.u32 s15;
	s10 =	smov.u32 s14;
	[sflag:s13] =	ssyncadd.s32 @!p0 $0xFFFFC000  }
.LBB1_1:
0x14: {  	p0 =	sge.u32 s11, s6  }
0x15: {  	s13 =	sxor.u32 @!p0 $0xFFFFFFFF, s11  }
0x16: {  	s31 =	sadd.s32 $0xFFFFFFFF, s11;
	s14 =	sshll.u32 @!p0 s10, $0x9;
	s13 =	sshll.u32 @!p0 s13, $0xE  }
0x17: {  	s15 =	simm.s32 @!p0 $0x0;
	s14 =	sadd.s32 @!p0 s2, s14;
	s13 =	sand.u32 @!p0 $0x4000, s13  }
0x18: {  	[tilespmem:s13], [sflag:$0x1] =	stream.linear.gather @!p0 [hbm4b:s14+s15], $0x4000, $0x38;
	[tilespmem:$0x10000] =	vst v63  }
0x19: {  	p0 =	sge.u32 s31, s6  }
.Ltmp2:
0x1a: {  	_ = 	snop;
	(pc) =	sbr.rel @p0 .LBB1_9-.Ltmp2, $1  }
0x1b: {  	_ =	sdelay $0x3  }
0x1c: {  	s14 =	sand.u32 $0x4000, s9  }
0x1d: {  	_ =	swait.ge [sflag:s5], $0x4000;
	s15 =	sshll.u32 s11, $0xE;
	s16 =	simm.s32 $0x0  }
0x1e: {  	s13 =	sor.u32 $0x40, s14;
	[sflag:s5] =	ssyncset.done $0x0;
	s15 =	sand.u32 $0x4000, s15  }
0x1f: {  	s14 =	sor.u32 $0x8040, s14;
	[sflag:s5] =	ssyncadd.s32 $0xFFFFC000;
	s15 =	sor.u32 $0x8000, s15  }
.LBB1_3:
0x20: {  	s17 =	smov.u32 s14;
	s18 =	smov.u32 s13;
	s19 =	simm.s32 $0x0  }
.LBB1_4:
0x21: {  	v0 =	vmov s17;
	v2 =	vld [tilespmem:s18+$0x30]  }
0x22: {  	v4 =	vld [tilespmem:s18+$0xFFFFFFD0]  }
0x23: {  	v6 =	vld [tilespmem:s18+$0xFFFFFFE0]  }
0x24: {  	v7 =	vld [tilespmem:s18+$0xFFFFFFF0]  }
0x25: {  	s20 =	simm.s32 $0x0;
	v1 =	vld [tilespmem:s18+$0x0]  }
0x26: {  	v3 =	vld [tilespmem:s18+$0x10];
	[tilespmem:v0+s20+$0x30 ss:$0x1] =	vst.idx.msk $0xffff, v2  }
0x27: {  	v5 =	vld [tilespmem:s18+$0x20];
	[tilespmem:v0+s20+$0xFFFFFFD0 ss:$0x1] =	vst.idx.msk $0xffff, v4  }
0x28: {  	s21 =	sadd.s32 $0x80, s18;
	v2 =	vld [tilespmem:s18+$0xFFFFFFC0];
	[tilespmem:v0+s20+$0xFFFFFFE0 ss:$0x1] =	vst.idx.msk $0xffff, v6  }
0x29: {  	s22 =	simm.s32 $0x800;
	s23 =	simm.s32 $0x1000;
	v4 =	vld [tilespmem:s21+$0x30];
	[tilespmem:v0+s20+$0xFFFFFFF0 ss:$0x1] =	vst.idx.msk $0xffff, v7  }
.LBB1_5:
0x2a: {  	p0 =	sne.s32 s23, $0x3800;
	v6 =	vld [tilespmem:s21+$0xFFFFFFD0];
	[tilespmem:v0+s20+$0x0 ss:$0x1] =	vst.idx.msk $0xffff, v1  }
0x2b: {  	v7 =	vld [tilespmem:s21+$0xFFFFFFE0];
	[tilespmem:v0+s20+$0x10 ss:$0x1] =	vst.idx.msk $0xffff, v3  }
0x2c: {  	v8 =	vld [tilespmem:s21+$0xFFFFFFF0];
	[tilespmem:v0+s20+$0x20 ss:$0x1] =	vst.idx.msk $0xffff, v5  }
.Ltmp3:
0x2d: {  	v1 =	vld [tilespmem:s21+$0x0];
	[tilespmem:v0+s20+$0xFFFFFFC0 ss:$0x1] =	vst.idx.msk $0xffff, v2;
	s20 =	sshra.s32 s22, $0x2;
	s22 =	smov.u32 s23;
	(pc) =	sbr.rel @p0 .LBB1_5-.Ltmp3, $4  }
0x2e: {  	v3 =	vld [tilespmem:s21+$0x10];
	[tilespmem:v0+s20+$0x30 ss:$0x1] =	vst.idx.msk $0xffff, v4  }
0x2f: {  	[tilespmem:v0+s20+$0xFFFFFFD0 ss:$0x1] =	vst.idx.msk $0xffff, v6;
	v5 =	vld [tilespmem:s21+$0x20]  }
0x30: {  	v2 =	vld [tilespmem:s21+$0xFFFFFFC0];
	[tilespmem:v0+s20+$0xFFFFFFE0 ss:$0x1] =	vst.idx.msk $0xffff, v7;
	s21 =	sadd.s32 $0x80, s21  }
0x31: {  	s23 =	sadd.s32 $0x800, s23;
	v4 =	vld [tilespmem:s21+$0x30];
	[tilespmem:v0+s20+$0xFFFFFFF0 ss:$0x1] =	vst.idx.msk $0xffff, v8  }
0x32: {  	_ =	sdelay $0x3  }
0x33: {  	v6 =	vld [tilespmem:s21+$0xFFFFFFD0];
	[tilespmem:v0+s20+$0x0 ss:$0x1] =	vst.idx.msk $0xffff, v1  }
0x34: {  	v58 =	vld [tilespmem:s21+$0xFFFFFFE0];
	[tilespmem:v0+s20+$0x10 ss:$0x1] =	vst.idx.msk $0xffff, v3  }
0x35: {  	v59 =	vld [tilespmem:s21+$0xFFFFFFF0];
	[tilespmem:v0+s20+$0x20 ss:$0x1] =	vst.idx.msk $0xffff, v5  }
0x36: {  	s22 =	sshra.s32 s22, $0x2;
	v60 =	vld [tilespmem:s21+$0x0];
	[tilespmem:v0+s20+$0xFFFFFFC0 ss:$0x1] =	vst.idx.msk $0xffff, v2  }
0x37: {  	v61 =	vld [tilespmem:s21+$0x10];
	[tilespmem:v0+s22+$0x30 ss:$0x1] =	vst.idx.msk $0xffff, v4  }
0x38: {  	v62 =	vld [tilespmem:s21+$0x20];
	s19 =	sadd.s32 $0x1, s19;
	[tilespmem:v0+s22+$0xFFFFFFD0 ss:$0x1] =	vst.idx.msk $0xffff, v6  }
0x39: {  	v63 =	vld [tilespmem:s21+$0xFFFFFFC0];
	p0 =	sne.s32 s19, $0x4;
	[tilespmem:v0+s22+$0xFFFFFFE0 ss:$0x1] =	vst.idx.msk $0xffff, v58  }
.Ltmp4:
0x3a: {  	[tilespmem:v0+s22+$0xFFFFFFF0 ss:$0x1] =	vst.idx.msk $0xffff, v59;
	(pc) =	sbr.rel @p0 .LBB1_4-.Ltmp4, $4  }
0x3b: {  	[tilespmem:v0+s22+$0x0 ss:$0x1] =	vst.idx.msk $0xffff, v60  }
0x3c: {  	[tilespmem:v0+s22+$0x10 ss:$0x1] =	vst.idx.msk $0xffff, v61  }
0x3d: {  	[tilespmem:v0+s22+$0x20 ss:$0x1] =	vst.idx.msk $0xffff, v62  }
0x3e: {  	s18 =	sadd.s32 $0x400, s18;
	s17 =	sadd.s32 $0x80, s17;
	[tilespmem:v0+s22+$0xFFFFFFC0 ss:$0x1] =	vst.idx.msk $0xffff, v63  }
0x3f: {  	s16 =	sadd.s32 $0x1, s16  }
0x40: {  	p0 =	sne.s32 s16, $0x4  }
.Ltmp5:
0x41: {  	_ = 	snop;
	(pc) =	sbr.rel @p0 .LBB1_3-.Ltmp5, $2  }
0x42: {  	_ =	sdelay $0x2  }
0x43: {  	s13 =	sadd.s32 $0x1000, s13;
	s14 =	sadd.s32 $0x1000, s14  }
.Ltmp6:
0x44: {  	(pc) =	sbr.rel .LBB1_9-.Ltmp6, $4  }
0x45: {  	_ = 	snop  }
0x46: {  	s12 =	sshll.u32 s12, $0x9  }
0x47: {  	s12 =	sadd.s32 s4, s12  }
0x48: {  	[hbm4b:s12+s8] =	stream.linear.scatter [tilespmem:s15], [sflag:$0x2], $0x4000, $0x38;
	[tilespmem:$0x10000] =	vst v63  }
.LBB1_10:
0x49: {  	_ =	sfence.sel $0x180000  }
0x4a: {  	s2 =	simm.s32 $0x1;
	[bflag:$0x0] =	sbarrier.arrive $0xFFFF  }
0x4b: {  	s31 =	simm.s32 $0x2;
	[sflag:s2] =	ssyncpa.u1 $0x1  }
0x4c: {  	[sflag:s31] =	ssyncpa.u1 $0x1  }
0x4d: {  	p0 =	sne.s32 s0, $0x0;
	_ =	strace $0x90000047  }
0x4e: {  	s0 =	sadd.s32 @!p0 $0x100000, s1;
	[bflag:$0x2] =	sbarrier.arrive $0xFFFF  }
0x4f: {  	[sflag:s0] =	ssyncadd.tile.s32 @!p0 $0x1;
	_ =	shalt  }
.Lfunc_end1:
_tile_overlayer_lowered:
.L_overlay_start_2:
0x50: {  	(tag) =	ssettag $0x2  }
0x51: {  	s0 =	rddreg [dreg:$0x0];
	s2 =	stileid.u32  }
0x52: {  	s1 =	rddreg [dreg:$0x1];
	p0 =	sne.s32 s2, $0x0  }
0x53: {  	s3 =	rddreg [dreg:$0x2];
	[bflag:$0x3] =	sbarrier.arrive $0xFFFF;
	s2 =	simm.s32 @!p0 $0x1C01  }
0x54: {  	[timem:s3], [sflag:s2] =	dma.local @!p0 [hbm:s0], s1  }
0x55: {  	s0 =	simm.s32 @!p0 $0x1  }
0x56: {  	_ =	swait.ge @!p0 [sflag:s0], s1  }
0x57: {  	s1 =	ssub.s32 @!p0 $0x0, s1;
	[sflag:s0] =	ssyncset.done @!p0 $0x0  }
0x58: {  	[sflag:s0] =	ssyncadd.s32 @!p0 s1  }
0x59: {  	[bflag:$0x3] =	sbarrier.arrive $0xFFFF  }
0x5a: {  	_ =	shalt  }

</sc_bundles>
